<compile_context>
chip_gen: v7x
topology: tpu7x:2x2x1
jax: 0.10.2.dev20260603
libtpu: 0.0.44.dev20260713+nightly
codegen_flags: <defaults>
</compile_context>

<pallas_src>
import functools

import jax
import jax.numpy as jnp
from jax import lax
from jax.experimental import pallas as pl
from jax.experimental.pallas import tpu as pltpu
from jax.experimental.pallas import tpu_sc as plsc

_CHUNK = 32
_NBUF = 4


@functools.lru_cache(maxsize=None)
def _make_gather(num_indices: int, dim: int, dtype):
    info = plsc.get_sparse_core_info()
    nw = info.num_cores * info.num_subcores
    per_w = num_indices // nw
    nchunk = per_w // _CHUNK
    look = _NBUF // 2
    assert num_indices % (nw * _CHUNK) == 0
    assert nchunk % _NBUF == 0 and nchunk >= 2 * _NBUF

    mesh = plsc.VectorSubcoreMesh(
        core_axis_name="core", subcore_axis_name="subcore"
    )

    @functools.partial(
        pl.kernel,
        out_type=jax.ShapeDtypeStruct((num_indices, dim), dtype),
        mesh=mesh,
        scratch_types=[
            pltpu.VMEM((per_w // _CHUNK, _CHUNK), jnp.int32),
        ]
        + [pltpu.VMEM((_CHUNK, dim), dtype) for _ in range(_NBUF)]
        + [pltpu.SemaphoreType.DMA for _ in range(2 * _NBUF)],
    )
    def gather_kernel(table_hbm, ids_hbm, out_hbm, idx_v, *rest):
        bufs = rest[:_NBUF]
        sg = rest[_NBUF:2 * _NBUF]
        ss = rest[2 * _NBUF:3 * _NBUF]

        wid = (lax.axis_index("subcore") * info.num_cores
               + lax.axis_index("core"))
        base = wid * per_w
        pltpu.sync_copy(ids_hbm.at[pl.ds(wid * nchunk, nchunk)], idx_v)

        def issue_gather(cc, b):
            pltpu.async_copy(
                table_hbm.at[idx_v.at[cc]],
                bufs[b], sg[b])

        def wait_gather(b):
            pltpu.make_async_copy(
                table_hbm.at[pl.ds(0, _CHUNK)], bufs[b], sg[b]).wait()

        def issue_store(cc, b):
            pltpu.async_copy(
                bufs[b], out_hbm.at[pl.ds(base + cc * _CHUNK, _CHUNK)],
                ss[b])

        def wait_store(b):
            pltpu.make_async_copy(
                bufs[b], out_hbm.at[pl.ds(0, _CHUNK)], ss[b]).wait()

        def visit(cc, b, prefetch=True, free=True):
            bn = (b + look) % _NBUF
            if free:
                wait_store(bn)
            if prefetch:
                issue_gather(cc + look, bn)
            wait_gather(b)
            issue_store(cc, b)

        for b in range(look):
            issue_gather(b, b)
        for b in range(_NBUF):
            visit(b, b, free=(b >= look))

        @pl.loop(_NBUF, nchunk - _NBUF, step=_NBUF)
        def _(c):
            for b in range(_NBUF):
                visit(c + b, b)

        for b in range(_NBUF):
            visit(nchunk - _NBUF + b, b, prefetch=(b < look),
                  free=(b < look))
        for b in range(_NBUF):
            wait_store(b)

    return gather_kernel


def kernel(token_ids, embedding_table):
    b, s = token_ids.shape
    _, d = embedding_table.shape
    n = b * s
    ids = token_ids.reshape(n // _CHUNK, _CHUNK).astype(jnp.int32)
    out = _make_gather(n, d, embedding_table.dtype)(embedding_table, ids)
    return out.reshape(b, s, d)

# --- scband reference (transcript-rebuilt; emitter-appended) ---
"""Pipeline reference for scband-bert-embedding-21732534517813 (READ-ONLY COPY).

The authoritative reference and input builder live on the scoring server;
editing this copy changes nothing except your own understanding.
"""

import jax, jax.numpy as jnp
import numpy as np

VOCAB = 30522
DIM = 768
BATCH = 256
SEQ = 512

def setup_inputs(seed: int = 0) -> dict:
    key = jax.random.key(seed)
    k_ids, k_tab = jax.random.split(key)
    token_ids = jax.random.randint(k_ids, (BATCH, SEQ), 0, VOCAB, dtype=jnp.int64 if jax.config.jax_enable_x64 else jnp.int32)
    embedding_table = jax.random.normal(k_tab, (VOCAB, DIM), dtype=jnp.float32) * 0.02
    return {"token_ids": token_ids, "embedding_table": embedding_table}

def reference(token_ids, embedding_table):
    # BertEmbedding.forward: return self.embeddings(token_ids)
    # nn.Embedding lookup -> row gather from table
    return jnp.take(embedding_table, token_ids, axis=0)

if __name__ == "__main__":
    import jax
    _d = setup_inputs()
    print(jax.jit(kernel)(*tuple(_d.values())))

</pallas_src>

<mosaic_0001>
#map = affine_map<(d0, d1) -> (0, 0)>
module attributes {stable_mosaic.version = 14 : i64} {
  func.func @gather_kernel(%arg0: i32, %arg1: i32, %arg2: memref<30522x768xf32, #tpu.memory_space<hbm>>, %arg3: memref<4096x32xi32, #tpu.memory_space<hbm>>, %arg4: memref<131072x768xf32, #tpu.memory_space<hbm>>, %arg5: memref<128x32xi32, #tpu.memory_space<vmem>>, %arg6: memref<32x768xf32, #tpu.memory_space<vmem>>, %arg7: memref<32x768xf32, #tpu.memory_space<vmem>>, %arg8: memref<32x768xf32, #tpu.memory_space<vmem>>, %arg9: memref<32x768xf32, #tpu.memory_space<vmem>>, %arg10: memref<!tpu.dma_semaphore, #tpu.memory_space<semaphore_mem>>, %arg11: memref<!tpu.dma_semaphore, #tpu.memory_space<semaphore_mem>>, %arg12: memref<!tpu.dma_semaphore, #tpu.memory_space<semaphore_mem>>, %arg13: memref<!tpu.dma_semaphore, #tpu.memory_space<semaphore_mem>>, %arg14: memref<!tpu.dma_semaphore, #tpu.memory_space<semaphore_mem>>, %arg15: memref<!tpu.dma_semaphore, #tpu.memory_space<semaphore_mem>>, %arg16: memref<!tpu.dma_semaphore, #tpu.memory_space<semaphore_mem>>, %arg17: memref<!tpu.dma_semaphore, #tpu.memory_space<semaphore_mem>>) attributes {dimension_semantics = [#tpu.dimension_semantics<core_parallel>, #tpu.dimension_semantics<subcore_parallel>], iteration_bounds = array<i64: 2, 16>, scalar_prefetch = 0 : i64, scratch_operands = 13 : i64, tpu.core_type = #tpu.core_type<sc_vector_subcore>, window_params = [{transform_indices = #map}, {transform_indices = #map}, {transform_indices = #map}]} {
    %mul3A = arith.constant 2 : i32
    %mul3A_0 = arith.muli %arg1, %mul3A : i32
    %add3A = arith.addi %mul3A_0, %arg0 : i32
    %mul3A_1 = arith.constant 4096 : i32
    %mul3A_2 = arith.muli %add3A, %mul3A_1 : i32
    %mul3A_3 = arith.constant 128 : i32
    %mul3A_4 = arith.muli %add3A, %mul3A_3 : i32
    "tpu.region"() ({
      %run_scoped3A = tpu.sem_alloc : memref<!tpu.dma_semaphore, #tpu.memory_space<semaphore_mem>>
      %dma_start3A_207 = arith.constant 0 : i32
      %dma_start3A_208 = tpu.memref_slice %arg3[%mul3A_4, %dma_start3A_207] : memref<4096x32xi32, #tpu.memory_space<hbm>> -> memref<128x32xi32, #tpu.memory_space<hbm>>
      %dma_start3A_209 = arith.constant 0 : i32
      %dma_start3A_210 = tpu.memref_slice %arg3[%mul3A_4, %dma_start3A_209] : memref<4096x32xi32, #tpu.memory_space<hbm>> -> memref<128x32xi32, #tpu.memory_space<hbm>>
      tpu.enqueue_dma source(%dma_start3A_210 : memref<128x32xi32, #tpu.memory_space<hbm>>) target(%arg5 : memref<128x32xi32, #tpu.memory_space<vmem>>) target_semaphore(%run_scoped3A : memref<!tpu.dma_semaphore, #tpu.memory_space<semaphore_mem>>)
      %dma_wait3A_211 = arith.constant 0 : i32
      %dma_wait3A_212 = tpu.memref_slice %arg3[%mul3A_4, %dma_wait3A_211] : memref<4096x32xi32, #tpu.memory_space<hbm>> -> memref<128x32xi32, #tpu.memory_space<hbm>>
      %dma_wait3A_213 = arith.constant 0 : i32
      %dma_wait3A_214 = tpu.memref_slice %arg3[%mul3A_4, %dma_wait3A_213] : memref<4096x32xi32, #tpu.memory_space<hbm>> -> memref<128x32xi32, #tpu.memory_space<hbm>>
      tpu.wait_dma2 semaphore(%run_scoped3A : memref<!tpu.dma_semaphore, #tpu.memory_space<semaphore_mem>>) src(%dma_wait3A_214 : memref<128x32xi32, #tpu.memory_space<hbm>>) dst(%arg5 : memref<128x32xi32, #tpu.memory_space<vmem>>)
      tpu.yield
    }) : () -> ()
    %dma_start3A = arith.constant 0 : i32
    %dma_start3A_5 = arith.constant 0 : i32
    %dma_start3A_6 = tpu.memref_slice %arg5[%dma_start3A, %dma_start3A_5] : memref<128x32xi32, #tpu.memory_space<vmem>> -> memref<1x32xi32, #tpu.memory_space<vmem>>
    %dma_start3A_7 = tpu.memref_squeeze %dma_start3A_6 : memref<1x32xi32, #tpu.memory_space<vmem>> -> memref<32xi32, #tpu.memory_space<vmem>>
    %dma_start3A_8 = arith.constant 0 : i32
    %dma_start3A_9 = arith.constant 0 : i32
    %dma_start3A_10 = tpu.memref_slice %arg2[%dma_start3A_8, %dma_start3A_9] : memref<30522x768xf32, #tpu.memory_space<hbm>> -> memref<30522x768xf32, #tpu.memory_space<hbm>>
    tpu.enqueue_indirect_dma source(%dma_start3A_10 : memref<30522x768xf32, #tpu.memory_space<hbm>>) target(%arg6 : memref<32x768xf32, #tpu.memory_space<vmem>>) offsets(%dma_start3A_7 : memref<32xi32, #tpu.memory_space<vmem>>) semaphore(%arg10 : memref<!tpu.dma_semaphore, #tpu.memory_space<semaphore_mem>>)
    %dma_start3A_11 = arith.constant 1 : i32
    %dma_start3A_12 = arith.constant 0 : i32
    %dma_start3A_13 = tpu.memref_slice %arg5[%dma_start3A_11, %dma_start3A_12] : memref<128x32xi32, #tpu.memory_space<vmem>> -> memref<1x32xi32, #tpu.memory_space<vmem>>
    %dma_start3A_14 = tpu.memref_squeeze %dma_start3A_13 : memref<1x32xi32, #tpu.memory_space<vmem>> -> memref<32xi32, #tpu.memory_space<vmem>>
    %dma_start3A_15 = arith.constant 0 : i32
    %dma_start3A_16 = arith.constant 0 : i32
    %dma_start3A_17 = tpu.memref_slice %arg2[%dma_start3A_15, %dma_start3A_16] : memref<30522x768xf32, #tpu.memory_space<hbm>> -> memref<30522x768xf32, #tpu.memory_space<hbm>>
    tpu.enqueue_indirect_dma source(%dma_start3A_17 : memref<30522x768xf32, #tpu.memory_space<hbm>>) target(%arg7 : memref<32x768xf32, #tpu.memory_space<vmem>>) offsets(%dma_start3A_14 : memref<32xi32, #tpu.memory_space<vmem>>) semaphore(%arg11 : memref<!tpu.dma_semaphore, #tpu.memory_space<semaphore_mem>>)
    %dma_start3A_18 = arith.constant 2 : i32
    %dma_start3A_19 = arith.constant 0 : i32
    %dma_start3A_20 = tpu.memref_slice %arg5[%dma_start3A_18, %dma_start3A_19] : memref<128x32xi32, #tpu.memory_space<vmem>> -> memref<1x32xi32, #tpu.memory_space<vmem>>
    %dma_start3A_21 = tpu.memref_squeeze %dma_start3A_20 : memref<1x32xi32, #tpu.memory_space<vmem>> -> memref<32xi32, #tpu.memory_space<vmem>>
    %dma_start3A_22 = arith.constant 0 : i32
    %dma_start3A_23 = arith.constant 0 : i32
    %dma_start3A_24 = tpu.memref_slice %arg2[%dma_start3A_22, %dma_start3A_23] : memref<30522x768xf32, #tpu.memory_space<hbm>> -> memref<30522x768xf32, #tpu.memory_space<hbm>>
    tpu.enqueue_indirect_dma source(%dma_start3A_24 : memref<30522x768xf32, #tpu.memory_space<hbm>>) target(%arg8 : memref<32x768xf32, #tpu.memory_space<vmem>>) offsets(%dma_start3A_21 : memref<32xi32, #tpu.memory_space<vmem>>) semaphore(%arg12 : memref<!tpu.dma_semaphore, #tpu.memory_space<semaphore_mem>>)
    %dma_wait3A = arith.constant 0 : i32
    %dma_wait3A_25 = arith.constant 0 : i32
    %dma_wait3A_26 = tpu.memref_slice %arg2[%dma_wait3A, %dma_wait3A_25] : memref<30522x768xf32, #tpu.memory_space<hbm>> -> memref<32x768xf32, #tpu.memory_space<hbm>>
    %dma_wait3A_27 = arith.constant 0 : i32
    %dma_wait3A_28 = arith.constant 0 : i32
    %dma_wait3A_29 = tpu.memref_slice %arg2[%dma_wait3A_27, %dma_wait3A_28] : memref<30522x768xf32, #tpu.memory_space<hbm>> -> memref<32x768xf32, #tpu.memory_space<hbm>>
    tpu.wait_dma2 semaphore(%arg10 : memref<!tpu.dma_semaphore, #tpu.memory_space<semaphore_mem>>) src(%dma_wait3A_29 : memref<32x768xf32, #tpu.memory_space<hbm>>) dst(%arg6 : memref<32x768xf32, #tpu.memory_space<vmem>>)
    %add3A_30 = arith.constant 0 : i32
    %add3A_31 = arith.addi %mul3A_2, %add3A_30 : i32
    %dma_start3A_32 = arith.constant 0 : i32
    %dma_start3A_33 = tpu.memref_slice %arg4[%add3A_31, %dma_start3A_32] : memref<131072x768xf32, #tpu.memory_space<hbm>> -> memref<32x768xf32, #tpu.memory_space<hbm>>
    %dma_start3A_34 = arith.constant 0 : i32
    %dma_start3A_35 = tpu.memref_slice %arg4[%add3A_31, %dma_start3A_34] : memref<131072x768xf32, #tpu.memory_space<hbm>> -> memref<32x768xf32, #tpu.memory_space<hbm>>
    tpu.enqueue_dma source(%arg6 : memref<32x768xf32, #tpu.memory_space<vmem>>) target(%dma_start3A_35 : memref<32x768xf32, #tpu.memory_space<hbm>>) target_semaphore(%arg14 : memref<!tpu.dma_semaphore, #tpu.memory_space<semaphore_mem>>)
    %dma_start3A_36 = arith.constant 3 : i32
    %dma_start3A_37 = arith.constant 0 : i32
    %dma_start3A_38 = tpu.memref_slice %arg5[%dma_start3A_36, %dma_start3A_37] : memref<128x32xi32, #tpu.memory_space<vmem>> -> memref<1x32xi32, #tpu.memory_space<vmem>>
    %dma_start3A_39 = tpu.memref_squeeze %dma_start3A_38 : memref<1x32xi32, #tpu.memory_space<vmem>> -> memref<32xi32, #tpu.memory_space<vmem>>
    %dma_start3A_40 = arith.constant 0 : i32
    %dma_start3A_41 = arith.constant 0 : i32
    %dma_start3A_42 = tpu.memref_slice %arg2[%dma_start3A_40, %dma_start3A_41] : memref<30522x768xf32, #tpu.memory_space<hbm>> -> memref<30522x768xf32, #tpu.memory_space<hbm>>
    tpu.enqueue_indirect_dma source(%dma_start3A_42 : memref<30522x768xf32, #tpu.memory_space<hbm>>) target(%arg9 : memref<32x768xf32, #tpu.memory_space<vmem>>) offsets(%dma_start3A_39 : memref<32xi32, #tpu.memory_space<vmem>>) semaphore(%arg13 : memref<!tpu.dma_semaphore, #tpu.memory_space<semaphore_mem>>)
    %dma_wait3A_43 = arith.constant 0 : i32
    %dma_wait3A_44 = arith.constant 0 : i32
    %dma_wait3A_45 = tpu.memref_slice %arg2[%dma_wait3A_43, %dma_wait3A_44] : memref<30522x768xf32, #tpu.memory_space<hbm>> -> memref<32x768xf32, #tpu.memory_space<hbm>>
    %dma_wait3A_46 = arith.constant 0 : i32
    %dma_wait3A_47 = arith.constant 0 : i32
    %dma_wait3A_48 = tpu.memref_slice %arg2[%dma_wait3A_46, %dma_wait3A_47] : memref<30522x768xf32, #tpu.memory_space<hbm>> -> memref<32x768xf32, #tpu.memory_space<hbm>>
    tpu.wait_dma2 semaphore(%arg11 : memref<!tpu.dma_semaphore, #tpu.memory_space<semaphore_mem>>) src(%dma_wait3A_48 : memref<32x768xf32, #tpu.memory_space<hbm>>) dst(%arg7 : memref<32x768xf32, #tpu.memory_space<vmem>>)
    %add3A_49 = arith.constant 32 : i32
    %add3A_50 = arith.addi %mul3A_2, %add3A_49 : i32
    %dma_start3A_51 = arith.constant 0 : i32
    %dma_start3A_52 = tpu.memref_slice %arg4[%add3A_50, %dma_start3A_51] : memref<131072x768xf32, #tpu.memory_space<hbm>> -> memref<32x768xf32, #tpu.memory_space<hbm>>
    %dma_start3A_53 = arith.constant 0 : i32
    %dma_start3A_54 = tpu.memref_slice %arg4[%add3A_50, %dma_start3A_53] : memref<131072x768xf32, #tpu.memory_space<hbm>> -> memref<32x768xf32, #tpu.memory_space<hbm>>
    tpu.enqueue_dma source(%arg7 : memref<32x768xf32, #tpu.memory_space<vmem>>) target(%dma_start3A_54 : memref<32x768xf32, #tpu.memory_space<hbm>>) target_semaphore(%arg15 : memref<!tpu.dma_semaphore, #tpu.memory_space<semaphore_mem>>)
    %dma_wait3A_55 = arith.constant 0 : i32
    %dma_wait3A_56 = arith.constant 0 : i32
    %dma_wait3A_57 = tpu.memref_slice %arg4[%dma_wait3A_55, %dma_wait3A_56] : memref<131072x768xf32, #tpu.memory_space<hbm>> -> memref<32x768xf32, #tpu.memory_space<hbm>>
    %dma_wait3A_58 = arith.constant 0 : i32
    %dma_wait3A_59 = arith.constant 0 : i32
    %dma_wait3A_60 = tpu.memref_slice %arg4[%dma_wait3A_58, %dma_wait3A_59] : memref<131072x768xf32, #tpu.memory_space<hbm>> -> memref<32x768xf32, #tpu.memory_space<hbm>>
    tpu.wait_dma2 semaphore(%arg14 : memref<!tpu.dma_semaphore, #tpu.memory_space<semaphore_mem>>) src(%arg6 : memref<32x768xf32, #tpu.memory_space<vmem>>) dst(%dma_wait3A_60 : memref<32x768xf32, #tpu.memory_space<hbm>>)
    %dma_start3A_61 = arith.constant 4 : i32
    %dma_start3A_62 = arith.constant 0 : i32
    %dma_start3A_63 = tpu.memref_slice %arg5[%dma_start3A_61, %dma_start3A_62] : memref<128x32xi32, #tpu.memory_space<vmem>> -> memref<1x32xi32, #tpu.memory_space<vmem>>
    %dma_start3A_64 = tpu.memref_squeeze %dma_start3A_63 : memref<1x32xi32, #tpu.memory_space<vmem>> -> memref<32xi32, #tpu.memory_space<vmem>>
    %dma_start3A_65 = arith.constant 0 : i32
    %dma_start3A_66 = arith.constant 0 : i32
    %dma_start3A_67 = tpu.memref_slice %arg2[%dma_start3A_65, %dma_start3A_66] : memref<30522x768xf32, #tpu.memory_space<hbm>> -> memref<30522x768xf32, #tpu.memory_space<hbm>>
    tpu.enqueue_indirect_dma source(%dma_start3A_67 : memref<30522x768xf32, #tpu.memory_space<hbm>>) target(%arg6 : memref<32x768xf32, #tpu.memory_space<vmem>>) offsets(%dma_start3A_64 : memref<32xi32, #tpu.memory_space<vmem>>) semaphore(%arg10 : memref<!tpu.dma_semaphore, #tpu.memory_space<semaphore_mem>>)
    %dma_wait3A_68 = arith.constant 0 : i32
    %dma_wait3A_69 = arith.constant 0 : i32
    %dma_wait3A_70 = tpu.memref_slice %arg2[%dma_wait3A_68, %dma_wait3A_69] : memref<30522x768xf32, #tpu.memory_space<hbm>> -> memref<32x768xf32, #tpu.memory_space<hbm>>
    %dma_wait3A_71 = arith.constant 0 : i32
    %dma_wait3A_72 = arith.constant 0 : i32
    %dma_wait3A_73 = tpu.memref_slice %arg2[%dma_wait3A_71, %dma_wait3A_72] : memref<30522x768xf32, #tpu.memory_space<hbm>> -> memref<32x768xf32, #tpu.memory_space<hbm>>
    tpu.wait_dma2 semaphore(%arg12 : memref<!tpu.dma_semaphore, #tpu.memory_space<semaphore_mem>>) src(%dma_wait3A_73 : memref<32x768xf32, #tpu.memory_space<hbm>>) dst(%arg8 : memref<32x768xf32, #tpu.memory_space<vmem>>)
    %add3A_74 = arith.constant 64 : i32
    %add3A_75 = arith.addi %mul3A_2, %add3A_74 : i32
    %dma_start3A_76 = arith.constant 0 : i32
    %dma_start3A_77 = tpu.memref_slice %arg4[%add3A_75, %dma_start3A_76] : memref<131072x768xf32, #tpu.memory_space<hbm>> -> memref<32x768xf32, #tpu.memory_space<hbm>>
    %dma_start3A_78 = arith.constant 0 : i32
    %dma_start3A_79 = tpu.memref_slice %arg4[%add3A_75, %dma_start3A_78] : memref<131072x768xf32, #tpu.memory_space<hbm>> -> memref<32x768xf32, #tpu.memory_space<hbm>>
    tpu.enqueue_dma source(%arg8 : memref<32x768xf32, #tpu.memory_space<vmem>>) target(%dma_start3A_79 : memref<32x768xf32, #tpu.memory_space<hbm>>) target_semaphore(%arg16 : memref<!tpu.dma_semaphore, #tpu.memory_space<semaphore_mem>>)
    %dma_wait3A_80 = arith.constant 0 : i32
    %dma_wait3A_81 = arith.constant 0 : i32
    %dma_wait3A_82 = tpu.memref_slice %arg4[%dma_wait3A_80, %dma_wait3A_81] : memref<131072x768xf32, #tpu.memory_space<hbm>> -> memref<32x768xf32, #tpu.memory_space<hbm>>
    %dma_wait3A_83 = arith.constant 0 : i32
    %dma_wait3A_84 = arith.constant 0 : i32
    %dma_wait3A_85 = tpu.memref_slice %arg4[%dma_wait3A_83, %dma_wait3A_84] : memref<131072x768xf32, #tpu.memory_space<hbm>> -> memref<32x768xf32, #tpu.memory_space<hbm>>
    tpu.wait_dma2 semaphore(%arg15 : memref<!tpu.dma_semaphore, #tpu.memory_space<semaphore_mem>>) src(%arg7 : memref<32x768xf32, #tpu.memory_space<vmem>>) dst(%dma_wait3A_85 : memref<32x768xf32, #tpu.memory_space<hbm>>)
    %dma_start3A_86 = arith.constant 5 : i32
    %dma_start3A_87 = arith.constant 0 : i32
    %dma_start3A_88 = tpu.memref_slice %arg5[%dma_start3A_86, %dma_start3A_87] : memref<128x32xi32, #tpu.memory_space<vmem>> -> memref<1x32xi32, #tpu.memory_space<vmem>>
    %dma_start3A_89 = tpu.memref_squeeze %dma_start3A_88 : memref<1x32xi32, #tpu.memory_space<vmem>> -> memref<32xi32, #tpu.memory_space<vmem>>
    %dma_start3A_90 = arith.constant 0 : i32
    %dma_start3A_91 = arith.constant 0 : i32
    %dma_start3A_92 = tpu.memref_slice %arg2[%dma_start3A_90, %dma_start3A_91] : memref<30522x768xf32, #tpu.memory_space<hbm>> -> memref<30522x768xf32, #tpu.memory_space<hbm>>
    tpu.enqueue_indirect_dma source(%dma_start3A_92 : memref<30522x768xf32, #tpu.memory_space<hbm>>) target(%arg7 : memref<32x768xf32, #tpu.memory_space<vmem>>) offsets(%dma_start3A_89 : memref<32xi32, #tpu.memory_space<vmem>>) semaphore(%arg11 : memref<!tpu.dma_semaphore, #tpu.memory_space<semaphore_mem>>)
    %dma_wait3A_93 = arith.constant 0 : i32
    %dma_wait3A_94 = arith.constant 0 : i32
    %dma_wait3A_95 = tpu.memref_slice %arg2[%dma_wait3A_93, %dma_wait3A_94] : memref<30522x768xf32, #tpu.memory_space<hbm>> -> memref<32x768xf32, #tpu.memory_space<hbm>>
    %dma_wait3A_96 = arith.constant 0 : i32
    %dma_wait3A_97 = arith.constant 0 : i32
    %dma_wait3A_98 = tpu.memref_slice %arg2[%dma_wait3A_96, %dma_wait3A_97] : memref<30522x768xf32, #tpu.memory_space<hbm>> -> memref<32x768xf32, #tpu.memory_space<hbm>>
    tpu.wait_dma2 semaphore(%arg13 : memref<!tpu.dma_semaphore, #tpu.memory_space<semaphore_mem>>) src(%dma_wait3A_98 : memref<32x768xf32, #tpu.memory_space<hbm>>) dst(%arg9 : memref<32x768xf32, #tpu.memory_space<vmem>>)
    %add3A_99 = arith.constant 96 : i32
    %add3A_100 = arith.addi %mul3A_2, %add3A_99 : i32
    %dma_start3A_101 = arith.constant 0 : i32
    %dma_start3A_102 = tpu.memref_slice %arg4[%add3A_100, %dma_start3A_101] : memref<131072x768xf32, #tpu.memory_space<hbm>> -> memref<32x768xf32, #tpu.memory_space<hbm>>
    %dma_start3A_103 = arith.constant 0 : i32
    %dma_start3A_104 = tpu.memref_slice %arg4[%add3A_100, %dma_start3A_103] : memref<131072x768xf32, #tpu.memory_space<hbm>> -> memref<32x768xf32, #tpu.memory_space<hbm>>
    tpu.enqueue_dma source(%arg9 : memref<32x768xf32, #tpu.memory_space<vmem>>) target(%dma_start3A_104 : memref<32x768xf32, #tpu.memory_space<hbm>>) target_semaphore(%arg17 : memref<!tpu.dma_semaphore, #tpu.memory_space<semaphore_mem>>)
    %scan3A = arith.constant 0 : i32
    %scan3A_105 = arith.constant 30 : i32
    %scan3A_106 = arith.addi %scan3A, %scan3A_105 : i32
    %scan3A_107 = arith.constant 1 : i32
    scf.for %scan3A_207 = %scan3A to %scan3A_106 step %scan3A_107  : i32 {
      %mul3A_208 = arith.constant 4 : i32
      %mul3A_209 = arith.muli %scan3A_207, %mul3A_208 : i32
      %add3A_210 = arith.constant 4 : i32
      %add3A_211 = arith.addi %add3A_210, %mul3A_209 : i32
      %add3A_212 = arith.constant 0 : i32
      %add3A_213 = arith.addi %add3A_211, %add3A_212 : i32
      %dma_wait3A_214 = arith.constant 0 : i32
      %dma_wait3A_215 = arith.constant 0 : i32
      %dma_wait3A_216 = tpu.memref_slice %arg4[%dma_wait3A_214, %dma_wait3A_215] : memref<131072x768xf32, #tpu.memory_space<hbm>> -> memref<32x768xf32, #tpu.memory_space<hbm>>
      %dma_wait3A_217 = arith.constant 0 : i32
      %dma_wait3A_218 = arith.constant 0 : i32
      %dma_wait3A_219 = tpu.memref_slice %arg4[%dma_wait3A_217, %dma_wait3A_218] : memref<131072x768xf32, #tpu.memory_space<hbm>> -> memref<32x768xf32, #tpu.memory_space<hbm>>
      tpu.wait_dma2 semaphore(%arg16 : memref<!tpu.dma_semaphore, #tpu.memory_space<semaphore_mem>>) src(%arg8 : memref<32x768xf32, #tpu.memory_space<vmem>>) dst(%dma_wait3A_219 : memref<32x768xf32, #tpu.memory_space<hbm>>)
      %add3A_220 = arith.constant 2 : i32
      %add3A_221 = arith.addi %add3A_213, %add3A_220 : i32
      %dma_start3A_222 = arith.constant 0 : i32
      %dma_start3A_223 = tpu.memref_slice %arg5[%add3A_221, %dma_start3A_222] : memref<128x32xi32, #tpu.memory_space<vmem>> -> memref<1x32xi32, #tpu.memory_space<vmem>>
      %dma_start3A_224 = tpu.memref_squeeze %dma_start3A_223 : memref<1x32xi32, #tpu.memory_space<vmem>> -> memref<32xi32, #tpu.memory_space<vmem>>
      %dma_start3A_225 = arith.constant 0 : i32
      %dma_start3A_226 = arith.constant 0 : i32
      %dma_start3A_227 = tpu.memref_slice %arg2[%dma_start3A_225, %dma_start3A_226] : memref<30522x768xf32, #tpu.memory_space<hbm>> -> memref<30522x768xf32, #tpu.memory_space<hbm>>
      tpu.enqueue_indirect_dma source(%dma_start3A_227 : memref<30522x768xf32, #tpu.memory_space<hbm>>) target(%arg8 : memref<32x768xf32, #tpu.memory_space<vmem>>) offsets(%dma_start3A_224 : memref<32xi32, #tpu.memory_space<vmem>>) semaphore(%arg12 : memref<!tpu.dma_semaphore, #tpu.memory_space<semaphore_mem>>)
      %dma_wait3A_228 = arith.constant 0 : i32
      %dma_wait3A_229 = arith.constant 0 : i32
      %dma_wait3A_230 = tpu.memref_slice %arg2[%dma_wait3A_228, %dma_wait3A_229] : memref<30522x768xf32, #tpu.memory_space<hbm>> -> memref<32x768xf32, #tpu.memory_space<hbm>>
      %dma_wait3A_231 = arith.constant 0 : i32
      %dma_wait3A_232 = arith.constant 0 : i32
      %dma_wait3A_233 = tpu.memref_slice %arg2[%dma_wait3A_231, %dma_wait3A_232] : memref<30522x768xf32, #tpu.memory_space<hbm>> -> memref<32x768xf32, #tpu.memory_space<hbm>>
      tpu.wait_dma2 semaphore(%arg10 : memref<!tpu.dma_semaphore, #tpu.memory_space<semaphore_mem>>) src(%dma_wait3A_233 : memref<32x768xf32, #tpu.memory_space<hbm>>) dst(%arg6 : memref<32x768xf32, #tpu.memory_space<vmem>>)
      %mul3A_234 = arith.constant 32 : i32
      %mul3A_235 = arith.muli %add3A_213, %mul3A_234 : i32
      %add3A_236 = arith.addi %mul3A_2, %mul3A_235 : i32
      %dma_start3A_237 = arith.constant 0 : i32
      %dma_start3A_238 = tpu.memref_slice %arg4[%add3A_236, %dma_start3A_237] : memref<131072x768xf32, #tpu.memory_space<hbm>> -> memref<32x768xf32, #tpu.memory_space<hbm>>
      %dma_start3A_239 = arith.constant 0 : i32
      %dma_start3A_240 = tpu.memref_slice %arg4[%add3A_236, %dma_start3A_239] : memref<131072x768xf32, #tpu.memory_space<hbm>> -> memref<32x768xf32, #tpu.memory_space<hbm>>
      tpu.enqueue_dma source(%arg6 : memref<32x768xf32, #tpu.memory_space<vmem>>) target(%dma_start3A_240 : memref<32x768xf32, #tpu.memory_space<hbm>>) target_semaphore(%arg14 : memref<!tpu.dma_semaphore, #tpu.memory_space<semaphore_mem>>)
      %add3A_241 = arith.constant 1 : i32
      %add3A_242 = arith.addi %add3A_211, %add3A_241 : i32
      %dma_wait3A_243 = arith.constant 0 : i32
      %dma_wait3A_244 = arith.constant 0 : i32
      %dma_wait3A_245 = tpu.memref_slice %arg4[%dma_wait3A_243, %dma_wait3A_244] : memref<131072x768xf32, #tpu.memory_space<hbm>> -> memref<32x768xf32, #tpu.memory_space<hbm>>
      %dma_wait3A_246 = arith.constant 0 : i32
      %dma_wait3A_247 = arith.constant 0 : i32
      %dma_wait3A_248 = tpu.memref_slice %arg4[%dma_wait3A_246, %dma_wait3A_247] : memref<131072x768xf32, #tpu.memory_space<hbm>> -> memref<32x768xf32, #tpu.memory_space<hbm>>
      tpu.wait_dma2 semaphore(%arg17 : memref<!tpu.dma_semaphore, #tpu.memory_space<semaphore_mem>>) src(%arg9 : memref<32x768xf32, #tpu.memory_space<vmem>>) dst(%dma_wait3A_248 : memref<32x768xf32, #tpu.memory_space<hbm>>)
      %add3A_249 = arith.constant 2 : i32
      %add3A_250 = arith.addi %add3A_242, %add3A_249 : i32
      %dma_start3A_251 = arith.constant 0 : i32
      %dma_start3A_252 = tpu.memref_slice %arg5[%add3A_250, %dma_start3A_251] : memref<128x32xi32, #tpu.memory_space<vmem>> -> memref<1x32xi32, #tpu.memory_space<vmem>>
      %dma_start3A_253 = tpu.memref_squeeze %dma_start3A_252 : memref<1x32xi32, #tpu.memory_space<vmem>> -> memref<32xi32, #tpu.memory_space<vmem>>
      %dma_start3A_254 = arith.constant 0 : i32
      %dma_start3A_255 = arith.constant 0 : i32
      %dma_start3A_256 = tpu.memref_slice %arg2[%dma_start3A_254, %dma_start3A_255] : memref<30522x768xf32, #tpu.memory_space<hbm>> -> memref<30522x768xf32, #tpu.memory_space<hbm>>
      tpu.enqueue_indirect_dma source(%dma_start3A_256 : memref<30522x768xf32, #tpu.memory_space<hbm>>) target(%arg9 : memref<32x768xf32, #tpu.memory_space<vmem>>) offsets(%dma_start3A_253 : memref<32xi32, #tpu.memory_space<vmem>>) semaphore(%arg13 : memref<!tpu.dma_semaphore, #tpu.memory_space<semaphore_mem>>)
      %dma_wait3A_257 = arith.constant 0 : i32
      %dma_wait3A_258 = arith.constant 0 : i32
      %dma_wait3A_259 = tpu.memref_slice %arg2[%dma_wait3A_257, %dma_wait3A_258] : memref<30522x768xf32, #tpu.memory_space<hbm>> -> memref<32x768xf32, #tpu.memory_space<hbm>>
      %dma_wait3A_260 = arith.constant 0 : i32
      %dma_wait3A_261 = arith.constant 0 : i32
      %dma_wait3A_262 = tpu.memref_slice %arg2[%dma_wait3A_260, %dma_wait3A_261] : memref<30522x768xf32, #tpu.memory_space<hbm>> -> memref<32x768xf32, #tpu.memory_space<hbm>>
      tpu.wait_dma2 semaphore(%arg11 : memref<!tpu.dma_semaphore, #tpu.memory_space<semaphore_mem>>) src(%dma_wait3A_262 : memref<32x768xf32, #tpu.memory_space<hbm>>) dst(%arg7 : memref<32x768xf32, #tpu.memory_space<vmem>>)
      %mul3A_263 = arith.constant 32 : i32
      %mul3A_264 = arith.muli %add3A_242, %mul3A_263 : i32
      %add3A_265 = arith.addi %mul3A_2, %mul3A_264 : i32
      %dma_start3A_266 = arith.constant 0 : i32
      %dma_start3A_267 = tpu.memref_slice %arg4[%add3A_265, %dma_start3A_266] : memref<131072x768xf32, #tpu.memory_space<hbm>> -> memref<32x768xf32, #tpu.memory_space<hbm>>
      %dma_start3A_268 = arith.constant 0 : i32
      %dma_start3A_269 = tpu.memref_slice %arg4[%add3A_265, %dma_start3A_268] : memref<131072x768xf32, #tpu.memory_space<hbm>> -> memref<32x768xf32, #tpu.memory_space<hbm>>
      tpu.enqueue_dma source(%arg7 : memref<32x768xf32, #tpu.memory_space<vmem>>) target(%dma_start3A_269 : memref<32x768xf32, #tpu.memory_space<hbm>>) target_semaphore(%arg15 : memref<!tpu.dma_semaphore, #tpu.memory_space<semaphore_mem>>)
      %add3A_270 = arith.constant 2 : i32
      %add3A_271 = arith.addi %add3A_211, %add3A_270 : i32
      %dma_wait3A_272 = arith.constant 0 : i32
      %dma_wait3A_273 = arith.constant 0 : i32
      %dma_wait3A_274 = tpu.memref_slice %arg4[%dma_wait3A_272, %dma_wait3A_273] : memref<131072x768xf32, #tpu.memory_space<hbm>> -> memref<32x768xf32, #tpu.memory_space<hbm>>
      %dma_wait3A_275 = arith.constant 0 : i32
      %dma_wait3A_276 = arith.constant 0 : i32
      %dma_wait3A_277 = tpu.memref_slice %arg4[%dma_wait3A_275, %dma_wait3A_276] : memref<131072x768xf32, #tpu.memory_space<hbm>> -> memref<32x768xf32, #tpu.memory_space<hbm>>
      tpu.wait_dma2 semaphore(%arg14 : memref<!tpu.dma_semaphore, #tpu.memory_space<semaphore_mem>>) src(%arg6 : memref<32x768xf32, #tpu.memory_space<vmem>>) dst(%dma_wait3A_277 : memref<32x768xf32, #tpu.memory_space<hbm>>)
      %add3A_278 = arith.constant 2 : i32
      %add3A_279 = arith.addi %add3A_271, %add3A_278 : i32
      %dma_start3A_280 = arith.constant 0 : i32
      %dma_start3A_281 = tpu.memref_slice %arg5[%add3A_279, %dma_start3A_280] : memref<128x32xi32, #tpu.memory_space<vmem>> -> memref<1x32xi32, #tpu.memory_space<vmem>>
      %dma_start3A_282 = tpu.memref_squeeze %dma_start3A_281 : memref<1x32xi32, #tpu.memory_space<vmem>> -> memref<32xi32, #tpu.memory_space<vmem>>
      %dma_start3A_283 = arith.constant 0 : i32
      %dma_start3A_284 = arith.constant 0 : i32
      %dma_start3A_285 = tpu.memref_slice %arg2[%dma_start3A_283, %dma_start3A_284] : memref<30522x768xf32, #tpu.memory_space<hbm>> -> memref<30522x768xf32, #tpu.memory_space<hbm>>
      tpu.enqueue_indirect_dma source(%dma_start3A_285 : memref<30522x768xf32, #tpu.memory_space<hbm>>) target(%arg6 : memref<32x768xf32, #tpu.memory_space<vmem>>) offsets(%dma_start3A_282 : memref<32xi32, #tpu.memory_space<vmem>>) semaphore(%arg10 : memref<!tpu.dma_semaphore, #tpu.memory_space<semaphore_mem>>)
      %dma_wait3A_286 = arith.constant 0 : i32
      %dma_wait3A_287 = arith.constant 0 : i32
      %dma_wait3A_288 = tpu.memref_slice %arg2[%dma_wait3A_286, %dma_wait3A_287] : memref<30522x768xf32, #tpu.memory_space<hbm>> -> memref<32x768xf32, #tpu.memory_space<hbm>>
      %dma_wait3A_289 = arith.constant 0 : i32
      %dma_wait3A_290 = arith.constant 0 : i32
      %dma_wait3A_291 = tpu.memref_slice %arg2[%dma_wait3A_289, %dma_wait3A_290] : memref<30522x768xf32, #tpu.memory_space<hbm>> -> memref<32x768xf32, #tpu.memory_space<hbm>>
      tpu.wait_dma2 semaphore(%arg12 : memref<!tpu.dma_semaphore, #tpu.memory_space<semaphore_mem>>) src(%dma_wait3A_291 : memref<32x768xf32, #tpu.memory_space<hbm>>) dst(%arg8 : memref<32x768xf32, #tpu.memory_space<vmem>>)
      %mul3A_292 = arith.constant 32 : i32
      %mul3A_293 = arith.muli %add3A_271, %mul3A_292 : i32
      %add3A_294 = arith.addi %mul3A_2, %mul3A_293 : i32
      %dma_start3A_295 = arith.constant 0 : i32
      %dma_start3A_296 = tpu.memref_slice %arg4[%add3A_294, %dma_start3A_295] : memref<131072x768xf32, #tpu.memory_space<hbm>> -> memref<32x768xf32, #tpu.memory_space<hbm>>
      %dma_start3A_297 = arith.constant 0 : i32
      %dma_start3A_298 = tpu.memref_slice %arg4[%add3A_294, %dma_start3A_297] : memref<131072x768xf32, #tpu.memory_space<hbm>> -> memref<32x768xf32, #tpu.memory_space<hbm>>
      tpu.enqueue_dma source(%arg8 : memref<32x768xf32, #tpu.memory_space<vmem>>) target(%dma_start3A_298 : memref<32x768xf32, #tpu.memory_space<hbm>>) target_semaphore(%arg16 : memref<!tpu.dma_semaphore, #tpu.memory_space<semaphore_mem>>)
      %add3A_299 = arith.constant 3 : i32
      %add3A_300 = arith.addi %add3A_211, %add3A_299 : i32
      %dma_wait3A_301 = arith.constant 0 : i32
      %dma_wait3A_302 = arith.constant 0 : i32
      %dma_wait3A_303 = tpu.memref_slice %arg4[%dma_wait3A_301, %dma_wait3A_302] : memref<131072x768xf32, #tpu.memory_space<hbm>> -> memref<32x768xf32, #tpu.memory_space<hbm>>
      %dma_wait3A_304 = arith.constant 0 : i32
      %dma_wait3A_305 = arith.constant 0 : i32
      %dma_wait3A_306 = tpu.memref_slice %arg4[%dma_wait3A_304, %dma_wait3A_305] : memref<131072x768xf32, #tpu.memory_space<hbm>> -> memref<32x768xf32, #tpu.memory_space<hbm>>
      tpu.wait_dma2 semaphore(%arg15 : memref<!tpu.dma_semaphore, #tpu.memory_space<semaphore_mem>>) src(%arg7 : memref<32x768xf32, #tpu.memory_space<vmem>>) dst(%dma_wait3A_306 : memref<32x768xf32, #tpu.memory_space<hbm>>)
      %add3A_307 = arith.constant 2 : i32
      %add3A_308 = arith.addi %add3A_300, %add3A_307 : i32
      %dma_start3A_309 = arith.constant 0 : i32
      %dma_start3A_310 = tpu.memref_slice %arg5[%add3A_308, %dma_start3A_309] : memref<128x32xi32, #tpu.memory_space<vmem>> -> memref<1x32xi32, #tpu.memory_space<vmem>>
      %dma_start3A_311 = tpu.memref_squeeze %dma_start3A_310 : memref<1x32xi32, #tpu.memory_space<vmem>> -> memref<32xi32, #tpu.memory_space<vmem>>
      %dma_start3A_312 = arith.constant 0 : i32
      %dma_start3A_313 = arith.constant 0 : i32
      %dma_start3A_314 = tpu.memref_slice %arg2[%dma_start3A_312, %dma_start3A_313] : memref<30522x768xf32, #tpu.memory_space<hbm>> -> memref<30522x768xf32, #tpu.memory_space<hbm>>
      tpu.enqueue_indirect_dma source(%dma_start3A_314 : memref<30522x768xf32, #tpu.memory_space<hbm>>) target(%arg7 : memref<32x768xf32, #tpu.memory_space<vmem>>) offsets(%dma_start3A_311 : memref<32xi32, #tpu.memory_space<vmem>>) semaphore(%arg11 : memref<!tpu.dma_semaphore, #tpu.memory_space<semaphore_mem>>)
      %dma_wait3A_315 = arith.constant 0 : i32
      %dma_wait3A_316 = arith.constant 0 : i32
      %dma_wait3A_317 = tpu.memref_slice %arg2[%dma_wait3A_315, %dma_wait3A_316] : memref<30522x768xf32, #tpu.memory_space<hbm>> -> memref<32x768xf32, #tpu.memory_space<hbm>>
      %dma_wait3A_318 = arith.constant 0 : i32
      %dma_wait3A_319 = arith.constant 0 : i32
      %dma_wait3A_320 = tpu.memref_slice %arg2[%dma_wait3A_318, %dma_wait3A_319] : memref<30522x768xf32, #tpu.memory_space<hbm>> -> memref<32x768xf32, #tpu.memory_space<hbm>>
      tpu.wait_dma2 semaphore(%arg13 : memref<!tpu.dma_semaphore, #tpu.memory_space<semaphore_mem>>) src(%dma_wait3A_320 : memref<32x768xf32, #tpu.memory_space<hbm>>) dst(%arg9 : memref<32x768xf32, #tpu.memory_space<vmem>>)
      %mul3A_321 = arith.constant 32 : i32
      %mul3A_322 = arith.muli %add3A_300, %mul3A_321 : i32
      %add3A_323 = arith.addi %mul3A_2, %mul3A_322 : i32
      %dma_start3A_324 = arith.constant 0 : i32
      %dma_start3A_325 = tpu.memref_slice %arg4[%add3A_323, %dma_start3A_324] : memref<131072x768xf32, #tpu.memory_space<hbm>> -> memref<32x768xf32, #tpu.memory_space<hbm>>
      %dma_start3A_326 = arith.constant 0 : i32
      %dma_start3A_327 = tpu.memref_slice %arg4[%add3A_323, %dma_start3A_326] : memref<131072x768xf32, #tpu.memory_space<hbm>> -> memref<32x768xf32, #tpu.memory_space<hbm>>
      tpu.enqueue_dma source(%arg9 : memref<32x768xf32, #tpu.memory_space<vmem>>) target(%dma_start3A_327 : memref<32x768xf32, #tpu.memory_space<hbm>>) target_semaphore(%arg17 : memref<!tpu.dma_semaphore, #tpu.memory_space<semaphore_mem>>)
    }
    %scan3A_108 = arith.constant 30 : i32
    %dma_wait3A_109 = arith.constant 0 : i32
    %dma_wait3A_110 = arith.constant 0 : i32
    %dma_wait3A_111 = tpu.memref_slice %arg4[%dma_wait3A_109, %dma_wait3A_110] : memref<131072x768xf32, #tpu.memory_space<hbm>> -> memref<32x768xf32, #tpu.memory_space<hbm>>
    %dma_wait3A_112 = arith.constant 0 : i32
    %dma_wait3A_113 = arith.constant 0 : i32
    %dma_wait3A_114 = tpu.memref_slice %arg4[%dma_wait3A_112, %dma_wait3A_113] : memref<131072x768xf32, #tpu.memory_space<hbm>> -> memref<32x768xf32, #tpu.memory_space<hbm>>
    tpu.wait_dma2 semaphore(%arg16 : memref<!tpu.dma_semaphore, #tpu.memory_space<semaphore_mem>>) src(%arg8 : memref<32x768xf32, #tpu.memory_space<vmem>>) dst(%dma_wait3A_114 : memref<32x768xf32, #tpu.memory_space<hbm>>)
    %dma_start3A_115 = arith.constant 126 : i32
    %dma_start3A_116 = arith.constant 0 : i32
    %dma_start3A_117 = tpu.memref_slice %arg5[%dma_start3A_115, %dma_start3A_116] : memref<128x32xi32, #tpu.memory_space<vmem>> -> memref<1x32xi32, #tpu.memory_space<vmem>>
    %dma_start3A_118 = tpu.memref_squeeze %dma_start3A_117 : memref<1x32xi32, #tpu.memory_space<vmem>> -> memref<32xi32, #tpu.memory_space<vmem>>
    %dma_start3A_119 = arith.constant 0 : i32
    %dma_start3A_120 = arith.constant 0 : i32
    %dma_start3A_121 = tpu.memref_slice %arg2[%dma_start3A_119, %dma_start3A_120] : memref<30522x768xf32, #tpu.memory_space<hbm>> -> memref<30522x768xf32, #tpu.memory_space<hbm>>
    tpu.enqueue_indirect_dma source(%dma_start3A_121 : memref<30522x768xf32, #tpu.memory_space<hbm>>) target(%arg8 : memref<32x768xf32, #tpu.memory_space<vmem>>) offsets(%dma_start3A_118 : memref<32xi32, #tpu.memory_space<vmem>>) semaphore(%arg12 : memref<!tpu.dma_semaphore, #tpu.memory_space<semaphore_mem>>)
    %dma_wait3A_122 = arith.constant 0 : i32
    %dma_wait3A_123 = arith.constant 0 : i32
    %dma_wait3A_124 = tpu.memref_slice %arg2[%dma_wait3A_122, %dma_wait3A_123] : memref<30522x768xf32, #tpu.memory_space<hbm>> -> memref<32x768xf32, #tpu.memory_space<hbm>>
    %dma_wait3A_125 = arith.constant 0 : i32
    %dma_wait3A_126 = arith.constant 0 : i32
    %dma_wait3A_127 = tpu.memref_slice %arg2[%dma_wait3A_125, %dma_wait3A_126] : memref<30522x768xf32, #tpu.memory_space<hbm>> -> memref<32x768xf32, #tpu.memory_space<hbm>>
    tpu.wait_dma2 semaphore(%arg10 : memref<!tpu.dma_semaphore, #tpu.memory_space<semaphore_mem>>) src(%dma_wait3A_127 : memref<32x768xf32, #tpu.memory_space<hbm>>) dst(%arg6 : memref<32x768xf32, #tpu.memory_space<vmem>>)
    %add3A_128 = arith.constant 3968 : i32
    %add3A_129 = arith.addi %mul3A_2, %add3A_128 : i32
    %dma_start3A_130 = arith.constant 0 : i32
    %dma_start3A_131 = tpu.memref_slice %arg4[%add3A_129, %dma_start3A_130] : memref<131072x768xf32, #tpu.memory_space<hbm>> -> memref<32x768xf32, #tpu.memory_space<hbm>>
    %dma_start3A_132 = arith.constant 0 : i32
    %dma_start3A_133 = tpu.memref_slice %arg4[%add3A_129, %dma_start3A_132] : memref<131072x768xf32, #tpu.memory_space<hbm>> -> memref<32x768xf32, #tpu.memory_space<hbm>>
    tpu.enqueue_dma source(%arg6 : memref<32x768xf32, #tpu.memory_space<vmem>>) target(%dma_start3A_133 : memref<32x768xf32, #tpu.memory_space<hbm>>) target_semaphore(%arg14 : memref<!tpu.dma_semaphore, #tpu.memory_space<semaphore_mem>>)
    %dma_wait3A_134 = arith.constant 0 : i32
    %dma_wait3A_135 = arith.constant 0 : i32
    %dma_wait3A_136 = tpu.memref_slice %arg4[%dma_wait3A_134, %dma_wait3A_135] : memref<131072x768xf32, #tpu.memory_space<hbm>> -> memref<32x768xf32, #tpu.memory_space<hbm>>
    %dma_wait3A_137 = arith.constant 0 : i32
    %dma_wait3A_138 = arith.constant 0 : i32
    %dma_wait3A_139 = tpu.memref_slice %arg4[%dma_wait3A_137, %dma_wait3A_138] : memref<131072x768xf32, #tpu.memory_space<hbm>> -> memref<32x768xf32, #tpu.memory_space<hbm>>
    tpu.wait_dma2 semaphore(%arg17 : memref<!tpu.dma_semaphore, #tpu.memory_space<semaphore_mem>>) src(%arg9 : memref<32x768xf32, #tpu.memory_space<vmem>>) dst(%dma_wait3A_139 : memref<32x768xf32, #tpu.memory_space<hbm>>)
    %dma_start3A_140 = arith.constant 127 : i32
    %dma_start3A_141 = arith.constant 0 : i32
    %dma_start3A_142 = tpu.memref_slice %arg5[%dma_start3A_140, %dma_start3A_141] : memref<128x32xi32, #tpu.memory_space<vmem>> -> memref<1x32xi32, #tpu.memory_space<vmem>>
    %dma_start3A_143 = tpu.memref_squeeze %dma_start3A_142 : memref<1x32xi32, #tpu.memory_space<vmem>> -> memref<32xi32, #tpu.memory_space<vmem>>
    %dma_start3A_144 = arith.constant 0 : i32
    %dma_start3A_145 = arith.constant 0 : i32
    %dma_start3A_146 = tpu.memref_slice %arg2[%dma_start3A_144, %dma_start3A_145] : memref<30522x768xf32, #tpu.memory_space<hbm>> -> memref<30522x768xf32, #tpu.memory_space<hbm>>
    tpu.enqueue_indirect_dma source(%dma_start3A_146 : memref<30522x768xf32, #tpu.memory_space<hbm>>) target(%arg9 : memref<32x768xf32, #tpu.memory_space<vmem>>) offsets(%dma_start3A_143 : memref<32xi32, #tpu.memory_space<vmem>>) semaphore(%arg13 : memref<!tpu.dma_semaphore, #tpu.memory_space<semaphore_mem>>)
    %dma_wait3A_147 = arith.constant 0 : i32
    %dma_wait3A_148 = arith.constant 0 : i32
    %dma_wait3A_149 = tpu.memref_slice %arg2[%dma_wait3A_147, %dma_wait3A_148] : memref<30522x768xf32, #tpu.memory_space<hbm>> -> memref<32x768xf32, #tpu.memory_space<hbm>>
    %dma_wait3A_150 = arith.constant 0 : i32
    %dma_wait3A_151 = arith.constant 0 : i32
    %dma_wait3A_152 = tpu.memref_slice %arg2[%dma_wait3A_150, %dma_wait3A_151] : memref<30522x768xf32, #tpu.memory_space<hbm>> -> memref<32x768xf32, #tpu.memory_space<hbm>>
    tpu.wait_dma2 semaphore(%arg11 : memref<!tpu.dma_semaphore, #tpu.memory_space<semaphore_mem>>) src(%dma_wait3A_152 : memref<32x768xf32, #tpu.memory_space<hbm>>) dst(%arg7 : memref<32x768xf32, #tpu.memory_space<vmem>>)
    %add3A_153 = arith.constant 4000 : i32
    %add3A_154 = arith.addi %mul3A_2, %add3A_153 : i32
    %dma_start3A_155 = arith.constant 0 : i32
    %dma_start3A_156 = tpu.memref_slice %arg4[%add3A_154, %dma_start3A_155] : memref<131072x768xf32, #tpu.memory_space<hbm>> -> memref<32x768xf32, #tpu.memory_space<hbm>>
    %dma_start3A_157 = arith.constant 0 : i32
    %dma_start3A_158 = tpu.memref_slice %arg4[%add3A_154, %dma_start3A_157] : memref<131072x768xf32, #tpu.memory_space<hbm>> -> memref<32x768xf32, #tpu.memory_space<hbm>>
    tpu.enqueue_dma source(%arg7 : memref<32x768xf32, #tpu.memory_space<vmem>>) target(%dma_start3A_158 : memref<32x768xf32, #tpu.memory_space<hbm>>) target_semaphore(%arg15 : memref<!tpu.dma_semaphore, #tpu.memory_space<semaphore_mem>>)
    %dma_wait3A_159 = arith.constant 0 : i32
    %dma_wait3A_160 = arith.constant 0 : i32
    %dma_wait3A_161 = tpu.memref_slice %arg2[%dma_wait3A_159, %dma_wait3A_160] : memref<30522x768xf32, #tpu.memory_space<hbm>> -> memref<32x768xf32, #tpu.memory_space<hbm>>
    %dma_wait3A_162 = arith.constant 0 : i32
    %dma_wait3A_163 = arith.constant 0 : i32
    %dma_wait3A_164 = tpu.memref_slice %arg2[%dma_wait3A_162, %dma_wait3A_163] : memref<30522x768xf32, #tpu.memory_space<hbm>> -> memref<32x768xf32, #tpu.memory_space<hbm>>
    tpu.wait_dma2 semaphore(%arg12 : memref<!tpu.dma_semaphore, #tpu.memory_space<semaphore_mem>>) src(%dma_wait3A_164 : memref<32x768xf32, #tpu.memory_space<hbm>>) dst(%arg8 : memref<32x768xf32, #tpu.memory_space<vmem>>)
    %add3A_165 = arith.constant 4032 : i32
    %add3A_166 = arith.addi %mul3A_2, %add3A_165 : i32
    %dma_start3A_167 = arith.constant 0 : i32
    %dma_start3A_168 = tpu.memref_slice %arg4[%add3A_166, %dma_start3A_167] : memref<131072x768xf32, #tpu.memory_space<hbm>> -> memref<32x768xf32, #tpu.memory_space<hbm>>
    %dma_start3A_169 = arith.constant 0 : i32
    %dma_start3A_170 = tpu.memref_slice %arg4[%add3A_166, %dma_start3A_169] : memref<131072x768xf32, #tpu.memory_space<hbm>> -> memref<32x768xf32, #tpu.memory_space<hbm>>
    tpu.enqueue_dma source(%arg8 : memref<32x768xf32, #tpu.memory_space<vmem>>) target(%dma_start3A_170 : memref<32x768xf32, #tpu.memory_space<hbm>>) target_semaphore(%arg16 : memref<!tpu.dma_semaphore, #tpu.memory_space<semaphore_mem>>)
    %dma_wait3A_171 = arith.constant 0 : i32
    %dma_wait3A_172 = arith.constant 0 : i32
    %dma_wait3A_173 = tpu.memref_slice %arg2[%dma_wait3A_171, %dma_wait3A_172] : memref<30522x768xf32, #tpu.memory_space<hbm>> -> memref<32x768xf32, #tpu.memory_space<hbm>>
    %dma_wait3A_174 = arith.constant 0 : i32
    %dma_wait3A_175 = arith.constant 0 : i32
    %dma_wait3A_176 = tpu.memref_slice %arg2[%dma_wait3A_174, %dma_wait3A_175] : memref<30522x768xf32, #tpu.memory_space<hbm>> -> memref<32x768xf32, #tpu.memory_space<hbm>>
    tpu.wait_dma2 semaphore(%arg13 : memref<!tpu.dma_semaphore, #tpu.memory_space<semaphore_mem>>) src(%dma_wait3A_176 : memref<32x768xf32, #tpu.memory_space<hbm>>) dst(%arg9 : memref<32x768xf32, #tpu.memory_space<vmem>>)
    %add3A_177 = arith.constant 4064 : i32
    %add3A_178 = arith.addi %mul3A_2, %add3A_177 : i32
    %dma_start3A_179 = arith.constant 0 : i32
    %dma_start3A_180 = tpu.memref_slice %arg4[%add3A_178, %dma_start3A_179] : memref<131072x768xf32, #tpu.memory_space<hbm>> -> memref<32x768xf32, #tpu.memory_space<hbm>>
    %dma_start3A_181 = arith.constant 0 : i32
    %dma_start3A_182 = tpu.memref_slice %arg4[%add3A_178, %dma_start3A_181] : memref<131072x768xf32, #tpu.memory_space<hbm>> -> memref<32x768xf32, #tpu.memory_space<hbm>>
    tpu.enqueue_dma source(%arg9 : memref<32x768xf32, #tpu.memory_space<vmem>>) target(%dma_start3A_182 : memref<32x768xf32, #tpu.memory_space<hbm>>) target_semaphore(%arg17 : memref<!tpu.dma_semaphore, #tpu.memory_space<semaphore_mem>>)
    %dma_wait3A_183 = arith.constant 0 : i32
    %dma_wait3A_184 = arith.constant 0 : i32
    %dma_wait3A_185 = tpu.memref_slice %arg4[%dma_wait3A_183, %dma_wait3A_184] : memref<131072x768xf32, #tpu.memory_space<hbm>> -> memref<32x768xf32, #tpu.memory_space<hbm>>
    %dma_wait3A_186 = arith.constant 0 : i32
    %dma_wait3A_187 = arith.constant 0 : i32
    %dma_wait3A_188 = tpu.memref_slice %arg4[%dma_wait3A_186, %dma_wait3A_187] : memref<131072x768xf32, #tpu.memory_space<hbm>> -> memref<32x768xf32, #tpu.memory_space<hbm>>
    tpu.wait_dma2 semaphore(%arg14 : memref<!tpu.dma_semaphore, #tpu.memory_space<semaphore_mem>>) src(%arg6 : memref<32x768xf32, #tpu.memory_space<vmem>>) dst(%dma_wait3A_188 : memref<32x768xf32, #tpu.memory_space<hbm>>)
    %dma_wait3A_189 = arith.constant 0 : i32
    %dma_wait3A_190 = arith.constant 0 : i32
    %dma_wait3A_191 = tpu.memref_slice %arg4[%dma_wait3A_189, %dma_wait3A_190] : memref<131072x768xf32, #tpu.memory_space<hbm>> -> memref<32x768xf32, #tpu.memory_space<hbm>>
    %dma_wait3A_192 = arith.constant 0 : i32
    %dma_wait3A_193 = arith.constant 0 : i32
    %dma_wait3A_194 = tpu.memref_slice %arg4[%dma_wait3A_192, %dma_wait3A_193] : memref<131072x768xf32, #tpu.memory_space<hbm>> -> memref<32x768xf32, #tpu.memory_space<hbm>>
    tpu.wait_dma2 semaphore(%arg15 : memref<!tpu.dma_semaphore, #tpu.memory_space<semaphore_mem>>) src(%arg7 : memref<32x768xf32, #tpu.memory_space<vmem>>) dst(%dma_wait3A_194 : memref<32x768xf32, #tpu.memory_space<hbm>>)
    %dma_wait3A_195 = arith.constant 0 : i32
    %dma_wait3A_196 = arith.constant 0 : i32
    %dma_wait3A_197 = tpu.memref_slice %arg4[%dma_wait3A_195, %dma_wait3A_196] : memref<131072x768xf32, #tpu.memory_space<hbm>> -> memref<32x768xf32, #tpu.memory_space<hbm>>
    %dma_wait3A_198 = arith.constant 0 : i32
    %dma_wait3A_199 = arith.constant 0 : i32
    %dma_wait3A_200 = tpu.memref_slice %arg4[%dma_wait3A_198, %dma_wait3A_199] : memref<131072x768xf32, #tpu.memory_space<hbm>> -> memref<32x768xf32, #tpu.memory_space<hbm>>
    tpu.wait_dma2 semaphore(%arg16 : memref<!tpu.dma_semaphore, #tpu.memory_space<semaphore_mem>>) src(%arg8 : memref<32x768xf32, #tpu.memory_space<vmem>>) dst(%dma_wait3A_200 : memref<32x768xf32, #tpu.memory_space<hbm>>)
    %dma_wait3A_201 = arith.constant 0 : i32
    %dma_wait3A_202 = arith.constant 0 : i32
    %dma_wait3A_203 = tpu.memref_slice %arg4[%dma_wait3A_201, %dma_wait3A_202] : memref<131072x768xf32, #tpu.memory_space<hbm>> -> memref<32x768xf32, #tpu.memory_space<hbm>>
    %dma_wait3A_204 = arith.constant 0 : i32
    %dma_wait3A_205 = arith.constant 0 : i32
    %dma_wait3A_206 = tpu.memref_slice %arg4[%dma_wait3A_204, %dma_wait3A_205] : memref<131072x768xf32, #tpu.memory_space<hbm>> -> memref<32x768xf32, #tpu.memory_space<hbm>>
    tpu.wait_dma2 semaphore(%arg17 : memref<!tpu.dma_semaphore, #tpu.memory_space<semaphore_mem>>) src(%arg9 : memref<32x768xf32, #tpu.memory_space<vmem>>) dst(%dma_wait3A_206 : memref<32x768xf32, #tpu.memory_space<hbm>>)
    return
  }
}

</mosaic_0001>

<sc_bundles>
// kernel: kernel.3.cloned.1.call-start
scs
__scs_entry_jumppad:
0x0: {  	(pc) =	sbr.rel $0x88, $3  }
0x1: {  	(tag) =	ssettag $0x0;
	lr =	simm.s32 $0x1  }
0x2: {  	[smem:$0x3F9F] =	sst lr;
	_ =	strace $0xD0000000  }
0x3: {  	_ = 	snop  }
0x4: {  	_ = 	snop  }
0x5: {  	_ = 	snop  }
0x6: {  	_ = 	snop  }
0x7: {  	_ = 	snop  }
__scs_overlays_trampoline_lowered:
0x8: {  	[smem:$0x3FAE] =	sst s0  }
0x9: {  	[smem:$0x3FAF] =	sst s1  }
0xa: {  	[smem:$0x3FB0] =	sst s2  }
0xb: {  	[smem:$0x3FB1] =	sst s3  }
0xc: {  	[smem:$0x3FB2] =	sst s4  }
0xd: {  	[smem:$0x3FB3] =	sst s5  }
0xe: {  	[smem:$0x3FB4] =	sst s6  }
0xf: {  	[smem:$0x3FB5] =	sst s7  }
0x10: {  	[smem:$0x3FB6] =	sst s8  }
0x11: {  	[smem:$0x3FB7] =	sst s9;
	s0 =	simm.s32 @!p0 $0x0  }
0x12: {  	s1 =	sld [smem:$0x3F9D];
	s0 =	simm.s32 @p0 $0x1  }
0x13: {  	[smem:$0x3FB8] =	sst s0;
	s0 =	simm.s32 @!p1 $0x0  }
0x14: {  	s2 =	sld [smem:$0x3F9C];
	s0 =	simm.s32 @p1 $0x1  }
0x15: {  	[smem:$0x3FB9] =	sst s0;
	s0 =	simm.s32 @!p2 $0x0  }
0x16: {  	s3 =	sld [smem:$0x3FDB];
	s0 =	simm.s32 @p2 $0x1  }
0x17: {  	s4 =	simm.s32 $0x1BF5;
	[smem:$0x3FBB] =	sst s0  }
0x18: {  	s0 =	sld [smem:$0x3F9E];
	_ =	swait.ge [sflag:s4], $0x0  }
0x19: {  	s7 =	sld [smem:$0x3F9F]  }
0x1a: {  	s8 =	sadd.s32 $0xFFFFE003, lr  }
0x1b: {  	s9 =	sadd.s32 $0xFFFFFEF7, lr;
	s5 =	simm.s32 $0xFFFFFFFF;
	p2 =	slt.u32 s8, $0xFFFFF086  }
0x1c: {  	p1 =	slt.u32 s9, $0xF7A;
	s5 =	simm.s32 @!p2 $0x0  }
0x1d: {  	s5 =	simm.s32 @p1 $0x1;
	p0 =	seq.s32 s7, s2  }
0x1e: {  	s7 =	smul.u32 @!p0 $0xF7A, s2;
	p2 =	seq.s32 @!p0 s5, $0x0  }
0x1f: {  	s9 =	smul.u32 $0xF7A, s1;
	s8 =	simm.s32 @!p0 $0x1BF5;
	p2 =	por !p2, p0  }
0x20: {  	[sflag:s8] =	ssyncset.s32 @!p0 $0xFFFFF086;
	s6 =	sadd.s32 @!p0 s3, s7;
	s7 =	simm.s32 @!p0 $0x108  }
0x21: {  	s3 =	sadd.s32 s3, s9;
	s6 =	sadd.s32 @!p0 $0x88, s6;
	s7 =	simm.s32 @p2 $0x1082  }
0x22: {  	[simem:s7], [sflag:s8] =	dma.local @!p0 [hbm:s6], $0xF7A  }
0x23: {  	s9 =	sor.u32 $0xD0000000, s2;
	s6 =	simm.s32 $0x108;
	_ =	swait.ge @!p0 [sflag:s8], $0x0  }
0x24: {  	s3 =	sadd.s32 $0x88, s3;
	s6 =	simm.s32 @!p1 $0x1082;
	[sflag:s4] =	ssyncset.s32 $0xFFFFF086  }
0x25: {  	[simem:s6], [sflag:s4] =	dma.local [hbm:s3], $0xF7A  }
0x26: {  	[smem:$0x3F9F] =	sst s1;
	(tag) =	ssettag s2;
	_ =	strace s9  }
0x27: {  	s1 =	sld [smem:$0x3FAF]  }
0x28: {  	s2 =	sld [smem:$0x3FB0]  }
0x29: {  	s4 =	sld [smem:$0x3FB2]  }
0x2a: {  	p0 =	seq.s32 s5, $0x0;
	s5 =	sld [smem:$0x3FB3]  }
0x2b: {  	s6 =	sld [smem:$0x3FB4]  }
0x2c: {  	s7 =	sld [smem:$0x3FB5]  }
0x2d: {  	s3 =	simm.s32 $0x108;
	s8 =	sld [smem:$0x3FB6]  }
0x2e: {  	s3 =	simm.s32 @!p0 $0x1082;
	s9 =	sld [smem:$0x3FB7]  }
0x2f: {  	lr =	sadd.s32 s0, s3;
	s0 =	sld [smem:$0x3FAE]  }
0x30: {  	s3 =	sld [smem:$0x3FB1]  }
0x31: {  	[smem:$0x3FBA] =	sst s10  }
0x32: {  	s10 =	sld [smem:$0x3FB8];
	_ =	sdelay $0x3  }
0x33: {  	p0 =	seq.s32 s10, $0x1;
	s10 =	sld [smem:$0x3FBA];
	_ =	sdelay $0x3  }
0x34: {  	[smem:$0x3FBA] =	sst s10  }
0x35: {  	s10 =	sld [smem:$0x3FB9];
	_ =	sdelay $0x3  }
0x36: {  	p1 =	seq.s32 s10, $0x1;
	s10 =	sld [smem:$0x3FBA];
	_ =	sdelay $0x3  }
0x37: {  	[smem:$0x3FBA] =	sst s10  }
0x38: {  	s10 =	sld [smem:$0x3FBB]  }
0x39: {  	_ = 	snop;
	(pc) =	sbr.ind lr, $3  }
0x3a: {  	_ = 	snop  }
0x3b: {  	_ = 	snop  }
0x3c: {  	p2 =	seq.s32 s10, $0x1;
	s10 =	sld [smem:$0x3FBA]  }
0x3d: {  	_ =	shalt  }
0x3e: {  	_ =	shalt  }
0x3f: {  	_ =	shalt  }
0x40: {  	_ =	shalt  }
0x41: {  	_ =	shalt  }
0x42: {  	_ =	shalt  }
0x43: {  	_ =	shalt  }
0x44: {  	_ =	shalt  }
0x45: {  	_ =	shalt  }
0x46: {  	_ =	shalt  }
0x47: {  	_ =	shalt  }
0x48: {  	_ =	shalt  }
0x49: {  	_ =	shalt  }
0x4a: {  	_ =	shalt  }
0x4b: {  	_ =	shalt  }
0x4c: {  	_ =	shalt  }
0x4d: {  	_ =	shalt  }
0x4e: {  	_ =	shalt  }
0x4f: {  	_ =	shalt  }
0x50: {  	_ =	shalt  }
0x51: {  	_ =	shalt  }
0x52: {  	_ =	shalt  }
0x53: {  	_ =	shalt  }
0x54: {  	_ =	shalt  }
0x55: {  	_ =	shalt  }
0x56: {  	_ =	shalt  }
0x57: {  	_ =	shalt  }
0x58: {  	_ =	shalt  }
0x59: {  	_ =	shalt  }
0x5a: {  	_ =	shalt  }
0x5b: {  	_ =	shalt  }
0x5c: {  	_ =	shalt  }
0x5d: {  	_ =	shalt  }
0x5e: {  	_ =	shalt  }
0x5f: {  	_ =	shalt  }
0x60: {  	_ =	shalt  }
0x61: {  	_ =	shalt  }
0x62: {  	_ =	shalt  }
0x63: {  	_ =	shalt  }
0x64: {  	_ =	shalt  }
0x65: {  	_ =	shalt  }
0x66: {  	_ =	shalt  }
0x67: {  	_ =	shalt  }
0x68: {  	_ =	shalt  }
0x69: {  	_ =	shalt  }
0x6a: {  	_ =	shalt  }
0x6b: {  	_ =	shalt  }
0x6c: {  	_ =	shalt  }
0x6d: {  	_ =	shalt  }
0x6e: {  	_ =	shalt  }
0x6f: {  	_ =	shalt  }
0x70: {  	_ =	shalt  }
0x71: {  	_ =	shalt  }
0x72: {  	_ =	shalt  }
0x73: {  	_ =	shalt  }
0x74: {  	_ =	shalt  }
0x75: {  	_ =	shalt  }
0x76: {  	_ =	shalt  }
0x77: {  	_ =	shalt  }
0x78: {  	_ =	shalt  }
0x79: {  	_ =	shalt  }
0x7a: {  	_ =	shalt  }
0x7b: {  	_ =	shalt  }
0x7c: {  	_ =	shalt  }
0x7d: {  	_ =	shalt  }
0x7e: {  	_ =	shalt  }
0x7f: {  	_ =	shalt  }
0x80: {  	_ =	shalt  }
0x81: {  	_ =	shalt  }
0x82: {  	_ =	shalt  }
0x83: {  	_ =	shalt  }
0x84: {  	_ =	shalt  }
0x85: {  	_ =	shalt  }
0x86: {  	_ =	shalt  }
0x87: {  	_ =	shalt  }
.Lfunc_end0:
.L_simem_size_0:
called_computation_lowered:
.L_overlay_start_0:
0x88: {  	s2 =	sld [smem:$0x3FD9]  }
0x89: {  	s3 =	sld [smem:$0x3FFE];
	_ =	sdelay $0x1  }
0x8a: {  	s1 =	srdreg.scid  }
0x8b: {  	s0 =	sand.u32 $0x1, s1  }
0x8c: {  	s17 =	sshll.u32 s0, $0xA;
	s2 =	sadd.s32 s3, s2  }
0x8d: {  	s2 =	sadd.s32 s2, s17  }
0x8e: {  	[smem:$0x3FC6] =	sst s2  }
0x8f: {  	_ = 	snop  }
0x90: {  	s2 =	sld [smem:$0x3FC8]  }
0x91: {  	s18 =	sld [smem:$0x3FD0];
	(tm) =	ssettm $0x1  }
0x92: {  	s4 =	sld [smem:$0x3FFB];
	_ =	sdelay $0x3  }
0x93: {  	_ =	strace s4  }
0x94: {  	s4 =	sld [smem:$0x3FFC];
	_ =	sdelay $0x3  }
0x95: {  	_ =	strace s4  }
0x96: {  	s4 =	sld [smem:$0x3FFD];
	_ =	sdelay $0x3  }
0x97: {  	_ =	strace s4  }
0x98: {  	_ =	strace $0x8FFFFFFF  }
0x99: {  	s19 =	sld [smem:$0x3FDB];
	_ =	sdelay $0x1  }
0x9a: {  	s5 =	simm.s32 $_scs_section_size  }
0x9b: {  	s6 =	simm.s32 $_size__tile_overlayer_lowered;
	s7 =	simm.s32 $_tile_overlayer_lowered  }
0x9c: {  	s22 =	simm.s32 $0x1BFF;
	s21 =	sshll.u32 s7, $0x1;
	s4 =	sadd.s32 s5, s19  }
0x9d: {  	s8 =	simm.s32 $0x0;
	s20 =	sshll.u32 s6, $0x1;
	s6 =	sadd.s32 s21, s4  }
0x9e: {  	[timem:s8], [sflag:s22] =	dma.local [hbm:s6], s20  }
0x9f: {  	_ =	swait.ge [sflag:s22], s20  }
0xa0: {  	s5 =	ssub.s32 $0x0, s20;
	[sflag:s22] =	ssyncset.done $0x0  }
0xa1: {  	[sflag:s22] =	ssyncadd.s32 s5;
	_ =	sdelay $0x1  }
0xa2: {  	s23 =	simm.s32 $0x1B8B  }
0xa3: {  	_ =	swait.ge [sflag:s23], $0x1  }
0xa4: {  	[sflag:s23] =	ssyncset.done $0x0  }
0xa5: {  	s25 =	simm.s32 $0x1B8E;
	s24 =	sld [smem:$0x3FFE];
	[sflag:s23] =	ssyncadd.s32 $0xFFFFFFFF  }
0xa6: {  	s26 =	simm.s32 $execute0_lowered;
	[smem:$0x3FD2] =	sst s25  }
0xa7: {  	s6 =	sshll.u32 s26, $0x1;
	_ =	strace $0x80000046;
	[dreg:$0x1] =	wrdreg $0xFFFFFFFF  }
0xa8: {  	s28 =	simm.s32 $_size_execute0_lowered;
	s4 =	sadd.s32 s4, s6;
	[dreg:$0x0] =	wrdreg $0x0  }
0xa9: {  	s6 =	sshll.u32 s28, $0x1;
	[dreg:$0x2] =	wrdreg s4  }
0xaa: {  	[dreg:$0x3] =	wrdreg s6  }
0xab: {  	[dreg:$0x4] =	wrdreg $0xC0  }
0xac: {  	_ =	task [dreg:s8], $0x5FFFF  }
0xad: {  	[dreg:$0x1] =	wrdreg $0xFFFFFFFF  }
0xae: {  	[dreg:$0x0] =	wrdreg $0x60  }
0xaf: {  	[dreg:$0x2] =	wrdreg s2  }
0xb0: {  	[dreg:$0x3] =	wrdreg s24  }
0xb1: {  	[dreg:$0x4] =	wrdreg s18  }
0xb2: {  	[dreg:$0x5] =	wrdreg $0x9  }
0xb3: {  	_ =	task.clear_ibuf [dreg:s8], $0x6FFFF;
	_ =	strace $0x90000046  }
0xb4: {  	s29 =	simm.s32 $0x9;
	_ =	strace $0x80000048  }
0xb5: {  	_ =	swait.ge [sflag:s29], $0x1  }
0xb6: {  	[sflag:s29] =	ssyncadd.s32 $0xFFFFFFFF  }
0xb7: {  	_ =	strace $0x90000048  }
0xb8: {  	_ =	sfence  }
0xb9: {  	s30 =	sld [smem:$0x0];
	_ =	sdelay $0x2  }
0xba: {  	s31 =	sshll.u32 s1, $0xD;
	s1 =	sshrl.u32 s1, $0x2  }
0xbb: {  	s3 =	sand.u32 $0x4000, s31;
	s1 =	sadd.s32 s1, s30  }
0xbc: {  	s0 =	sor.u32 s3, s0;
	s1 =	sshll.u32 s1, $0x11  }
0xbd: {  	s0 =	sor.u32 s1, s0  }
0xbe: {  	s0 =	sadd.s32 $0x8F2B, s0  }
0xbf: {  	[sflag:s0] =	ssyncadd.remote.s32 $0x1  }
0xc0: {  	_ =	sfence.sel $0xFFFF  }
0xc1: {  	[dreg:$0x0] =	wrdreg $0xFFFFFFFF;
	(pc) =	sbr.abs _section_cstart, $3  }
0xc2: {  	[dreg:$0x1] =	wrdreg $0xFFFFFFFF  }
0xc3: {  	_ =	task.clear_ibuf [dreg:s8], $0x2FFFF;
	_ =	strace $0x9FFFFFFF  }
0xc4: {  	(tm) =	ssettm $0x7FFFFFFF  }
0xc5: {  	_ =	shalt  }
tec
execute0_lowered:
.L_overlay_start_1:
0x0: {  	(tag) =	ssettag $0x1  }
0x1: {  	s1 =	rddreg [dreg:$0x0]  }
0x2: {  	s0 =	rddreg [dreg:$0x1]  }
0x3: {  	s2 =	rddreg [dreg:$0x2];
	s4 =	srdreg.scid  }
0x4: {  	s10 =	stileid.u32;
	s3 =	simm.s32 $0x0;
	s11 =	simm.s32 $0x9000  }
0x5: {  	s29 =	simm.s32 $0xB800;
	s30 =	simm.s32 $0xC000;
	s31 =	simm.s32 $0xC800  }
0x6: {  	s28 =	simm.s32 $0x1;
	s4 =	sand.u32 $0x1, s4;
	s5 =	sshll.u32 s10, $0x1  }
0x7: {  	[smem:$0x7FF] =	sst s3;
	s14 =	sshll.u32 s10, $0xD;
	s5 =	sor.u32 s4, s5  }
0x8: {  	s6 =	ssub.s32 $0x2, s4;
	_ =	strace $0x80000047;
	s4 =	sshll.u32 s4, $0xC  }
0x9: {  	s7 =	sshll.u32 s5, $0xB;
	s8 =	sshrl.u32 s6, $0x1;
	s9 =	smul.u32 $0x60000, s5  }
0xa: {  	s12 =	smul.u32 $0x300000, s5;
	s4 =	sor.u32 s4, s14;
	s14 =	simm.s32 $0xB000  }
0xb: {  	s0 =	sadd.s32 s7, s0;
	s8 =	ssub.s32 s6, s8;
	s6 =	sadd.s32 $0x100, s1  }
0xc: {  	s7 =	sadd.s32 $0x200, s1;
	s18 =	sor.u32 $0xE0, s4;
	s20 =	sor.u32 $0xC0, s4  }
0xd: {  	s21 =	sor.u32 $0x80, s4;
	s4 =	sor.u32 $0xA0, s4;
	s0 =	sadd.s32 $0x400, s0  }
0xe: {  	s9 =	sadd.s32 s2, s9;
	s5 =	sshrl.u32 s18, $0x3;
	s10 =	sshrl.u32 s21, $0x3  }
0xf: {  	s4 =	sshrl.u32 s4, $0x3;
	s26 =	smax.u32 s8, $0x1;
	s8 =	simm.s32 $0x7800  }
0x10: {  	s18 =	simm.s32 $0x3;
	s21 =	simm.s32 $0x7;
	[dreg:$0x8] =	wrdreg s0  }
0x11: {  	s13 =	sadd.s32 $0xC00, s9;
	s0 =	sshrl.u32 s12, $0x3;
	s15 =	sadd.s32 $0x1800, s9  }
0x12: {  	[dreg:$0x9] =	wrdreg s9;
	s16 =	sadd.s32 $0x2400, s9;
	s5 =	smul.u32 $0x300, s5  }
0x13: {  	s9 =	sshrl.u32 s20, $0x3;
	s10 =	smul.u32 $0x300, s10;
	[dreg:$0x11] =	wrdreg s26  }
0x14: {  	s4 =	smul.u32 $0x300, s4;
	s26 =	simm.s32 $0x5800;
	[dreg:$0xa] =	wrdreg s13  }
0x15: {  	s12 =	simm.s32 $0x9800;
	[dreg:$0xb] =	wrdreg s15;
	s0 =	sadd.s32 s2, s0  }
0x16: {  	s20 =	simm.s32 $0x4;
	[dreg:$0xc] =	wrdreg s16;
	s17 =	sadd.s32 $0x5D000, s0  }
0x17: {  	s9 =	smul.u32 $0x300, s9;
	s19 =	sadd.s32 $0x5DC00, s0;
	[dreg:$0xd] =	wrdreg s17  }
0x18: {  	s13 =	simm.s32 $0xA800;
	s5 =	sadd.s32 s5, s2;
	[dreg:$0xe] =	wrdreg s19  }
0x19: {  	s15 =	simm.s32 $0xE800;
	s23 =	sadd.s32 $0x5E800, s0;
	[dreg:$0x4] =	wrdreg s5  }
0x1a: {  	s16 =	simm.s32 $0x5;
	s0 =	sadd.s32 $0x5F400, s0;
	[dreg:$0xf] =	wrdreg s23  }
0x1b: {  	s24 =	sadd.s32 s10, s2;
	s25 =	sadd.s32 s4, s2;
	[dreg:$0x10] =	wrdreg s0  }
0x1c: {  	s4 =	simm.s32 $0x7000;
	s10 =	simm.s32 $0x8800;
	[dreg:$0x6] =	wrdreg s24  }
0x1d: {  	s22 =	sadd.s32 s9, s2;
	[dreg:$0x7] =	wrdreg s25;
	s24 =	simm.s32 $0x4800  }
0x1e: {  	v2 =	vlaneseq.u32;
	s25 =	simm.s32 $0x5000;
	s0 =	simm.s32 $0x6000;
	s2 =	simm.s32 $0x6800  }
0x1f: {  	vm0 =	vmmov $0xffff;
	v1 =	vshrl.u32 v2, $0x3;
	s9 =	simm.s32 $0x8000;
	s5 =	simm.s32 $0x2;
	s19 =	simm.s32 $0x6  }
0x20: {  	v0 =	vand.u32 $0x7, v2;
	v2 =	vor.u32 $0x8, v2;
	v1 =	vmul.u32 $0x8, v1;
	s17 =	simm.s32 $0x0;
	[dreg:$0x5] =	wrdreg s22;
	s22 =	simm.s32 $0x8  }
.LBB2_1:
0x21: {  	[dreg:$0x12] =	wrdreg s17  }
0x22: {  	s23 =	rddreg [dreg:$0x8];
	s17 =	simm.s32 $0x9  }
0x23: {  	[tilespmem:s3], [sflag:$0x9] =	stream.linear.gather [hbm4b:s23+s3], $0x4000, $0x38;
	[tilespmem:$0x1C000] =	vst v63  }
0x24: {  	_ =	swait.ge [sflag:s17], $0x4000  }
0x25: {  	[sflag:s17] =	ssyncset.done $0x0  }
0x26: {  	[sflag:s17] =	ssyncadd.s32 $0xFFFFC000  }
0x27: {  	v3 =	vld [tilespmem:$0x0];
	_ =	sdelay $0x4  }
0x28: {  	v4 =	vshrl.u32 v3, $0x3  }
0x29: {  	v4 =	vmul.u32 $0x30, v4  }
0x2a: {  	v3 =	vand.u32 $0x7, v3  }
0x2b: {  	v3 =	vor.u32 v3, v4  }
0x2c: {  	v4 =	vperm.xlane v3, v0;
	_ =	sdelay $0x1  }
0x2d: {  	v4 =	vadd.s32 v1, v4;
	_ =	sdelay $0x3  }
0x2e: {  	s17 =	simm.s32 $0x4000;
	v3 =	vperm.xlane v3, v2  }
0x2f: {  	[tilespmem:s17], [sflag:$0x1] =	stream.indirect_vreg.gather [hbm4b:s1+s3], $0x80, v4, vm0, $0xb8;
	[tilespmem:$0x1C000] =	vst v63  }
0x30: {  	v3 =	vadd.s32 v1, v3  }
0x31: {  	[tilespmem:s24], [sflag:$0x1] =	stream.indirect_vreg.gather [hbm4b:s6+s3], $0x80, v4, vm0, $0xb8;
	[tilespmem:$0x1C000] =	vst v63  }
0x32: {  	_ = 	snop  }
0x33: {  	[tilespmem:s25], [sflag:$0x1] =	stream.indirect_vreg.gather [hbm4b:s7+s3], $0x80, v4, vm0, $0xb8;
	[tilespmem:$0x1C000] =	vst v63  }
0x34: {  	_ = 	snop  }
0x35: {  	[tilespmem:s26], [sflag:$0x1] =	stream.indirect_vreg.gather [hbm4b:s1+s3], $0x80, v3, vm0, $0xb8;
	[tilespmem:$0x1C000] =	vst v63  }
0x36: {  	_ = 	snop  }
0x37: {  	[tilespmem:s0], [sflag:$0x1] =	stream.indirect_vreg.gather [hbm4b:s6+s3], $0x80, v3, vm0, $0xb8;
	[tilespmem:$0x1C000] =	vst v63  }
0x38: {  	_ = 	snop  }
0x39: {  	[tilespmem:s2], [sflag:$0x1] =	stream.indirect_vreg.gather [hbm4b:s7+s3], $0x80, v3, vm0, $0xb8;
	[tilespmem:$0x1C000] =	vst v63  }
0x3a: {  	v3 =	vld [tilespmem:$0x10];
	_ =	sdelay $0x4  }
0x3b: {  	v53 =	vshrl.u32 v3, $0x3  }
0x3c: {  	v4 =	vmul.u32 $0x30, v53  }
0x3d: {  	v3 =	vand.u32 $0x7, v3  }
0x3e: {  	v3 =	vor.u32 v3, v4  }
0x3f: {  	v4 =	vperm.xlane v3, v0;
	_ =	sdelay $0x1  }
0x40: {  	v4 =	vadd.s32 v1, v4;
	_ =	sdelay $0x3  }
0x41: {  	v3 =	vperm.xlane v3, v2  }
0x42: {  	[tilespmem:s4], [sflag:$0x1] =	stream.indirect_vreg.gather [hbm4b:s1+s3], $0x80, v4, vm0, $0xb8;
	[tilespmem:$0x1C000] =	vst v63  }
0x43: {  	v3 =	vadd.s32 v1, v3  }
0x44: {  	[tilespmem:s8], [sflag:$0x1] =	stream.indirect_vreg.gather [hbm4b:s6+s3], $0x80, v4, vm0, $0xb8;
	[tilespmem:$0x1C000] =	vst v63  }
0x45: {  	_ = 	snop  }
0x46: {  	[tilespmem:s9], [sflag:$0x1] =	stream.indirect_vreg.gather [hbm4b:s7+s3], $0x80, v4, vm0, $0xb8;
	[tilespmem:$0x1C000] =	vst v63  }
0x47: {  	_ = 	snop  }
0x48: {  	[tilespmem:s10], [sflag:$0x1] =	stream.indirect_vreg.gather [hbm4b:s1+s3], $0x80, v3, vm0, $0xb8;
	[tilespmem:$0x1C000] =	vst v63  }
0x49: {  	_ = 	snop  }
0x4a: {  	[tilespmem:s11], [sflag:$0x1] =	stream.indirect_vreg.gather [hbm4b:s6+s3], $0x80, v3, vm0, $0xb8;
	[tilespmem:$0x1C000] =	vst v63  }
0x4b: {  	_ = 	snop  }
0x4c: {  	[tilespmem:s12], [sflag:$0x1] =	stream.indirect_vreg.gather [hbm4b:s7+s3], $0x80, v3, vm0, $0xb8;
	[tilespmem:$0x1C000] =	vst v63  }
0x4d: {  	v3 =	vld [tilespmem:$0x80];
	_ =	sdelay $0x4  }
0x4e: {  	v54 =	vshrl.u32 v3, $0x3  }
0x4f: {  	v4 =	vmul.u32 $0x30, v54  }
0x50: {  	v3 =	vand.u32 $0x7, v3  }
0x51: {  	v3 =	vor.u32 v3, v4  }
0x52: {  	v4 =	vperm.xlane v3, v0;
	_ =	sdelay $0x1  }
0x53: {  	v4 =	vadd.s32 v1, v4;
	_ =	sdelay $0x3  }
0x54: {  	s23 =	simm.s32 $0xA000;
	v3 =	vperm.xlane v3, v2  }
0x55: {  	[tilespmem:s23], [sflag:$0x2] =	stream.indirect_vreg.gather [hbm4b:s1+s3], $0x80, v4, vm0, $0xb8;
	[tilespmem:$0x1C000] =	vst v63  }
0x56: {  	v3 =	vadd.s32 v1, v3  }
0x57: {  	[tilespmem:s13], [sflag:$0x2] =	stream.indirect_vreg.gather [hbm4b:s6+s3], $0x80, v4, vm0, $0xb8;
	[tilespmem:$0x1C000] =	vst v63  }
0x58: {  	_ = 	snop  }
0x59: {  	[tilespmem:s14], [sflag:$0x2] =	stream.indirect_vreg.gather [hbm4b:s7+s3], $0x80, v4, vm0, $0xb8;
	[tilespmem:$0x1C000] =	vst v63  }
0x5a: {  	_ = 	snop  }
0x5b: {  	[tilespmem:s29], [sflag:$0x2] =	stream.indirect_vreg.gather [hbm4b:s1+s3], $0x80, v3, vm0, $0xb8;
	[tilespmem:$0x1C000] =	vst v63  }
0x5c: {  	_ = 	snop  }
0x5d: {  	[tilespmem:s30], [sflag:$0x2] =	stream.indirect_vreg.gather [hbm4b:s6+s3], $0x80, v3, vm0, $0xb8;
	[tilespmem:$0x1C000] =	vst v63  }
0x5e: {  	_ = 	snop  }
0x5f: {  	[tilespmem:s31], [sflag:$0x2] =	stream.indirect_vreg.gather [hbm4b:s7+s3], $0x80, v3, vm0, $0xb8;
	[tilespmem:$0x1C000] =	vst v63  }
0x60: {  	v3 =	vld [tilespmem:$0x90];
	_ =	sdelay $0x4  }
0x61: {  	v55 =	vshrl.u32 v3, $0x3  }
0x62: {  	v4 =	vmul.u32 $0x30, v55  }
0x63: {  	v3 =	vand.u32 $0x7, v3  }
0x64: {  	v3 =	vor.u32 v3, v4  }
0x65: {  	v4 =	vperm.xlane v3, v0;
	_ =	sdelay $0x1  }
0x66: {  	v4 =	vadd.s32 v1, v4;
	_ =	sdelay $0x3  }
0x67: {  	s14 =	simm.s32 $0xD000;
	v3 =	vperm.xlane v3, v2  }
0x68: {  	[tilespmem:s14], [sflag:$0x2] =	stream.indirect_vreg.gather [hbm4b:s1+s3], $0x80, v4, vm0, $0xb8;
	[tilespmem:$0x1C000] =	vst v63  }
0x69: {  	v3 =	vadd.s32 v1, v3;
	s14 =	simm.s32 $0xD800  }
0x6a: {  	[tilespmem:s14], [sflag:$0x2] =	stream.indirect_vreg.gather [hbm4b:s6+s3], $0x80, v4, vm0, $0xb8;
	[tilespmem:$0x1C000] =	vst v63  }
0x6b: {  	s14 =	simm.s32 $0xE000  }
0x6c: {  	[tilespmem:s14], [sflag:$0x2] =	stream.indirect_vreg.gather [hbm4b:s7+s3], $0x80, v4, vm0, $0xb8;
	[tilespmem:$0x1C000] =	vst v63  }
0x6d: {  	_ = 	snop  }
0x6e: {  	[tilespmem:s15], [sflag:$0x2] =	stream.indirect_vreg.gather [hbm4b:s1+s3], $0x80, v3, vm0, $0xb8;
	[tilespmem:$0x1C000] =	vst v63  }
0x6f: {  	s23 =	simm.s32 $0xF000  }
0x70: {  	[tilespmem:s23], [sflag:$0x2] =	stream.indirect_vreg.gather [hbm4b:s6+s3], $0x80, v3, vm0, $0xb8;
	[tilespmem:$0x1C000] =	vst v63  }
0x71: {  	s14 =	simm.s32 $0xF800  }
0x72: {  	[tilespmem:s14], [sflag:$0x2] =	stream.indirect_vreg.gather [hbm4b:s7+s3], $0x80, v3, vm0, $0xb8;
	[tilespmem:$0x1C000] =	vst v63  }
0x73: {  	v3 =	vld [tilespmem:$0x100];
	_ =	sdelay $0x4  }
0x74: {  	v56 =	vshrl.u32 v3, $0x3  }
0x75: {  	v4 =	vmul.u32 $0x30, v56  }
0x76: {  	v3 =	vand.u32 $0x7, v3  }
0x77: {  	v3 =	vor.u32 v3, v4  }
0x78: {  	v4 =	vperm.xlane v3, v0;
	_ =	sdelay $0x1  }
0x79: {  	v4 =	vadd.s32 v1, v4;
	_ =	sdelay $0x3  }
0x7a: {  	s23 =	simm.s32 $0x10000;
	v3 =	vperm.xlane v3, v2  }
0x7b: {  	[tilespmem:s23], [sflag:$0x3] =	stream.indirect_vreg.gather [hbm4b:s1+s3], $0x80, v4, vm0, $0xb8;
	[tilespmem:$0x1C000] =	vst v63  }
0x7c: {  	s14 =	simm.s32 $0x10800;
	v3 =	vadd.s32 v1, v3  }
0x7d: {  	[tilespmem:s14], [sflag:$0x3] =	stream.indirect_vreg.gather [hbm4b:s6+s3], $0x80, v4, vm0, $0xb8;
	[tilespmem:$0x1C000] =	vst v63  }
0x7e: {  	s15 =	simm.s32 $0x11000  }
0x7f: {  	[tilespmem:s15], [sflag:$0x3] =	stream.indirect_vreg.gather [hbm4b:s7+s3], $0x80, v4, vm0, $0xb8;
	[tilespmem:$0x1C000] =	vst v63  }
0x80: {  	s14 =	simm.s32 $0x11800  }
0x81: {  	[tilespmem:s14], [sflag:$0x3] =	stream.indirect_vreg.gather [hbm4b:s1+s3], $0x80, v3, vm0, $0xb8;
	[tilespmem:$0x1C000] =	vst v63  }
0x82: {  	s15 =	simm.s32 $0x12000  }
0x83: {  	[tilespmem:s15], [sflag:$0x3] =	stream.indirect_vreg.gather [hbm4b:s6+s3], $0x80, v3, vm0, $0xb8;
	[tilespmem:$0x1C000] =	vst v63  }
0x84: {  	s14 =	simm.s32 $0x12800  }
0x85: {  	[tilespmem:s14], [sflag:$0x3] =	stream.indirect_vreg.gather [hbm4b:s7+s3], $0x80, v3, vm0, $0xb8;
	[tilespmem:$0x1C000] =	vst v63  }
0x86: {  	v3 =	vld [tilespmem:$0x110];
	_ =	sdelay $0x4  }
0x87: {  	v57 =	vshrl.u32 v3, $0x3  }
0x88: {  	v4 =	vmul.u32 $0x30, v57  }
0x89: {  	v3 =	vand.u32 $0x7, v3  }
0x8a: {  	v3 =	vor.u32 v3, v4  }
0x8b: {  	v4 =	vperm.xlane v3, v0;
	_ =	sdelay $0x1  }
0x8c: {  	v4 =	vadd.s32 v1, v4;
	_ =	sdelay $0x3  }
0x8d: {  	s15 =	simm.s32 $0x13000;
	v3 =	vperm.xlane v3, v2  }
0x8e: {  	[tilespmem:s15], [sflag:$0x3] =	stream.indirect_vreg.gather [hbm4b:s1+s3], $0x80, v4, vm0, $0xb8;
	[tilespmem:$0x1C000] =	vst v63  }
0x8f: {  	s14 =	simm.s32 $0x13800;
	v3 =	vadd.s32 v1, v3  }
0x90: {  	[tilespmem:s14], [sflag:$0x3] =	stream.indirect_vreg.gather [hbm4b:s6+s3], $0x80, v4, vm0, $0xb8;
	[tilespmem:$0x1C000] =	vst v63  }
0x91: {  	s15 =	simm.s32 $0x14000  }
0x92: {  	[tilespmem:s15], [sflag:$0x3] =	stream.indirect_vreg.gather [hbm4b:s7+s3], $0x80, v4, vm0, $0xb8;
	[tilespmem:$0x1C000] =	vst v63  }
0x93: {  	s14 =	simm.s32 $0x14800  }
0x94: {  	[tilespmem:s14], [sflag:$0x3] =	stream.indirect_vreg.gather [hbm4b:s1+s3], $0x80, v3, vm0, $0xb8;
	[tilespmem:$0x1C000] =	vst v63  }
0x95: {  	s15 =	simm.s32 $0x15000  }
0x96: {  	[tilespmem:s15], [sflag:$0x3] =	stream.indirect_vreg.gather [hbm4b:s6+s3], $0x80, v3, vm0, $0xb8;
	[tilespmem:$0x1C000] =	vst v63  }
0x97: {  	s14 =	simm.s32 $0x15800  }
0x98: {  	[tilespmem:s14], [sflag:$0x3] =	stream.indirect_vreg.gather [hbm4b:s7+s3], $0x80, v3, vm0, $0xb8;
	[tilespmem:$0x1C000] =	vst v63  }
0x99: {  	_ =	swait.ge [sflag:s28], $0x6000  }
0x9a: {  	[sflag:s28] =	ssyncset.done $0x0  }
0x9b: {  	s15 =	rddreg [dreg:$0x9];
	[sflag:s28] =	ssyncadd.s32 $0xFFFFA000  }
0x9c: {  	[hbm4b:s15+s3] =	stream.linear.scatter [tilespmem:s17], [sflag:$0x5], $0x6000, $0x38;
	[tilespmem:$0x1C000] =	vst v63  }
0x9d: {  	v3 =	vld [tilespmem:$0x180];
	_ =	sdelay $0x4  }
0x9e: {  	v58 =	vshrl.u32 v3, $0x3  }
0x9f: {  	v4 =	vmul.u32 $0x30, v58  }
0xa0: {  	v3 =	vand.u32 $0x7, v3  }
0xa1: {  	v3 =	vor.u32 v3, v4  }
0xa2: {  	v4 =	vperm.xlane v3, v0;
	_ =	sdelay $0x1  }
0xa3: {  	v4 =	vadd.s32 v1, v4;
	_ =	sdelay $0x3  }
0xa4: {  	s23 =	simm.s32 $0x16000;
	v3 =	vperm.xlane v3, v2  }
0xa5: {  	[tilespmem:s23], [sflag:$0x4] =	stream.indirect_vreg.gather [hbm4b:s1+s3], $0x80, v4, vm0, $0xb8;
	[tilespmem:$0x1C000] =	vst v63  }
0xa6: {  	s15 =	simm.s32 $0x16800;
	v3 =	vadd.s32 v1, v3  }
0xa7: {  	[tilespmem:s15], [sflag:$0x4] =	stream.indirect_vreg.gather [hbm4b:s6+s3], $0x80, v4, vm0, $0xb8;
	[tilespmem:$0x1C000] =	vst v63  }
0xa8: {  	s14 =	simm.s32 $0x17000  }
0xa9: {  	[tilespmem:s14], [sflag:$0x4] =	stream.indirect_vreg.gather [hbm4b:s7+s3], $0x80, v4, vm0, $0xb8;
	[tilespmem:$0x1C000] =	vst v63  }
0xaa: {  	s15 =	simm.s32 $0x17800  }
0xab: {  	[tilespmem:s15], [sflag:$0x4] =	stream.indirect_vreg.gather [hbm4b:s1+s3], $0x80, v3, vm0, $0xb8;
	[tilespmem:$0x1C000] =	vst v63  }
0xac: {  	s14 =	simm.s32 $0x18000  }
0xad: {  	[tilespmem:s14], [sflag:$0x4] =	stream.indirect_vreg.gather [hbm4b:s6+s3], $0x80, v3, vm0, $0xb8;
	[tilespmem:$0x1C000] =	vst v63  }
0xae: {  	s15 =	simm.s32 $0x18800  }
0xaf: {  	[tilespmem:s15], [sflag:$0x4] =	stream.indirect_vreg.gather [hbm4b:s7+s3], $0x80, v3, vm0, $0xb8;
	[tilespmem:$0x1C000] =	vst v63  }
0xb0: {  	v3 =	vld [tilespmem:$0x190];
	_ =	sdelay $0x4  }
0xb1: {  	v59 =	vshrl.u32 v3, $0x3  }
0xb2: {  	v4 =	vmul.u32 $0x30, v59  }
0xb3: {  	v3 =	vand.u32 $0x7, v3  }
0xb4: {  	v3 =	vor.u32 v3, v4  }
0xb5: {  	v4 =	vperm.xlane v3, v0;
	_ =	sdelay $0x1  }
0xb6: {  	v4 =	vadd.s32 v1, v4;
	_ =	sdelay $0x3  }
0xb7: {  	s14 =	simm.s32 $0x19000;
	v3 =	vperm.xlane v3, v2  }
0xb8: {  	[tilespmem:s14], [sflag:$0x4] =	stream.indirect_vreg.gather [hbm4b:s1+s3], $0x80, v4, vm0, $0xb8;
	[tilespmem:$0x1C000] =	vst v63  }
0xb9: {  	s15 =	simm.s32 $0x19800;
	v3 =	vadd.s32 v1, v3  }
0xba: {  	[tilespmem:s15], [sflag:$0x4] =	stream.indirect_vreg.gather [hbm4b:s6+s3], $0x80, v4, vm0, $0xb8;
	[tilespmem:$0x1C000] =	vst v63  }
0xbb: {  	s14 =	simm.s32 $0x1A000  }
0xbc: {  	[tilespmem:s14], [sflag:$0x4] =	stream.indirect_vreg.gather [hbm4b:s7+s3], $0x80, v4, vm0, $0xb8;
	[tilespmem:$0x1C000] =	vst v63  }
0xbd: {  	s15 =	simm.s32 $0x1A800  }
0xbe: {  	[tilespmem:s15], [sflag:$0x4] =	stream.indirect_vreg.gather [hbm4b:s1+s3], $0x80, v3, vm0, $0xb8;
	[tilespmem:$0x1C000] =	vst v63  }
0xbf: {  	s14 =	simm.s32 $0x1B000  }
0xc0: {  	[tilespmem:s14], [sflag:$0x4] =	stream.indirect_vreg.gather [hbm4b:s6+s3], $0x80, v3, vm0, $0xb8;
	[tilespmem:$0x1C000] =	vst v63  }
0xc1: {  	s15 =	simm.s32 $0x1B800  }
0xc2: {  	[tilespmem:s15], [sflag:$0x4] =	stream.indirect_vreg.gather [hbm4b:s7+s3], $0x80, v3, vm0, $0xb8;
	[tilespmem:$0x1C000] =	vst v63  }
0xc3: {  	_ =	swait.ge [sflag:s5], $0x6000  }
0xc4: {  	[sflag:s5] =	ssyncset.done $0x0  }
0xc5: {  	s14 =	simm.s32 $0xA000;
	s23 =	rddreg [dreg:$0xa];
	[sflag:s5] =	ssyncadd.s32 $0xFFFFA000  }
0xc6: {  	[hbm4b:s23+s3] =	stream.linear.scatter [tilespmem:s14], [sflag:$0x6], $0x6000, $0x38;
	[tilespmem:$0x1C000] =	vst v63  }
0xc7: {  	_ =	swait.ge [sflag:s16], $0x6000  }
0xc8: {  	[sflag:s16] =	ssyncset.done $0x0  }
0xc9: {  	[sflag:s16] =	ssyncadd.s32 $0xFFFFA000  }
0xca: {  	v3 =	vld [tilespmem:$0x200];
	_ =	sdelay $0x4  }
0xcb: {  	v60 =	vshrl.u32 v3, $0x3  }
0xcc: {  	v4 =	vmul.u32 $0x30, v60  }
0xcd: {  	v3 =	vand.u32 $0x7, v3  }
0xce: {  	v3 =	vor.u32 v3, v4  }
0xcf: {  	v4 =	vperm.xlane v3, v0;
	_ =	sdelay $0x1  }
0xd0: {  	v4 =	vadd.s32 v1, v4;
	_ =	sdelay $0x3  }
0xd1: {  	v3 =	vperm.xlane v3, v2  }
0xd2: {  	[tilespmem:s17], [sflag:$0x1] =	stream.indirect_vreg.gather [hbm4b:s1+s3], $0x80, v4, vm0, $0xb8;
	[tilespmem:$0x1C000] =	vst v63  }
0xd3: {  	v3 =	vadd.s32 v1, v3  }
0xd4: {  	[tilespmem:s24], [sflag:$0x1] =	stream.indirect_vreg.gather [hbm4b:s6+s3], $0x80, v4, vm0, $0xb8;
	[tilespmem:$0x1C000] =	vst v63  }
0xd5: {  	_ = 	snop  }
0xd6: {  	[tilespmem:s25], [sflag:$0x1] =	stream.indirect_vreg.gather [hbm4b:s7+s3], $0x80, v4, vm0, $0xb8;
	[tilespmem:$0x1C000] =	vst v63  }
0xd7: {  	_ = 	snop  }
0xd8: {  	[tilespmem:s26], [sflag:$0x1] =	stream.indirect_vreg.gather [hbm4b:s1+s3], $0x80, v3, vm0, $0xb8;
	[tilespmem:$0x1C000] =	vst v63  }
0xd9: {  	_ = 	snop  }
0xda: {  	[tilespmem:s0], [sflag:$0x1] =	stream.indirect_vreg.gather [hbm4b:s6+s3], $0x80, v3, vm0, $0xb8;
	[tilespmem:$0x1C000] =	vst v63  }
0xdb: {  	_ = 	snop  }
0xdc: {  	[tilespmem:s2], [sflag:$0x1] =	stream.indirect_vreg.gather [hbm4b:s7+s3], $0x80, v3, vm0, $0xb8;
	[tilespmem:$0x1C000] =	vst v63  }
0xdd: {  	v3 =	vld [tilespmem:$0x210];
	_ =	sdelay $0x4  }
0xde: {  	v61 =	vshrl.u32 v3, $0x3  }
0xdf: {  	v4 =	vmul.u32 $0x30, v61  }
0xe0: {  	v3 =	vand.u32 $0x7, v3  }
0xe1: {  	v3 =	vor.u32 v3, v4  }
0xe2: {  	v4 =	vperm.xlane v3, v0;
	_ =	sdelay $0x1  }
0xe3: {  	v4 =	vadd.s32 v1, v4;
	_ =	sdelay $0x3  }
0xe4: {  	v3 =	vperm.xlane v3, v2  }
0xe5: {  	[tilespmem:s4], [sflag:$0x1] =	stream.indirect_vreg.gather [hbm4b:s1+s3], $0x80, v4, vm0, $0xb8;
	[tilespmem:$0x1C000] =	vst v63  }
0xe6: {  	v3 =	vadd.s32 v1, v3  }
0xe7: {  	[tilespmem:s8], [sflag:$0x1] =	stream.indirect_vreg.gather [hbm4b:s6+s3], $0x80, v4, vm0, $0xb8;
	[tilespmem:$0x1C000] =	vst v63  }
0xe8: {  	_ = 	snop  }
0xe9: {  	[tilespmem:s9], [sflag:$0x1] =	stream.indirect_vreg.gather [hbm4b:s7+s3], $0x80, v4, vm0, $0xb8;
	[tilespmem:$0x1C000] =	vst v63  }
0xea: {  	_ = 	snop  }
0xeb: {  	[tilespmem:s10], [sflag:$0x1] =	stream.indirect_vreg.gather [hbm4b:s1+s3], $0x80, v3, vm0, $0xb8;
	[tilespmem:$0x1C000] =	vst v63  }
0xec: {  	_ = 	snop  }
0xed: {  	[tilespmem:s11], [sflag:$0x1] =	stream.indirect_vreg.gather [hbm4b:s6+s3], $0x80, v3, vm0, $0xb8;
	[tilespmem:$0x1C000] =	vst v63  }
0xee: {  	_ = 	snop  }
0xef: {  	[tilespmem:s12], [sflag:$0x1] =	stream.indirect_vreg.gather [hbm4b:s7+s3], $0x80, v3, vm0, $0xb8;
	[tilespmem:$0x1C000] =	vst v63  }
0xf0: {  	_ =	swait.ge [sflag:s18], $0x6000  }
0xf1: {  	[sflag:s18] =	ssyncset.done $0x0  }
0xf2: {  	s12 =	simm.s32 $0x10000;
	s11 =	rddreg [dreg:$0xb];
	[sflag:s18] =	ssyncadd.s32 $0xFFFFA000  }
0xf3: {  	[hbm4b:s11+s3] =	stream.linear.scatter [tilespmem:s12], [sflag:$0x7], $0x6000, $0x38;
	[tilespmem:$0x1C000] =	vst v63  }
0xf4: {  	_ =	swait.ge [sflag:s19], $0x6000  }
0xf5: {  	[sflag:s19] =	ssyncset.done $0x0  }
0xf6: {  	[sflag:s19] =	ssyncadd.s32 $0xFFFFA000  }
0xf7: {  	v3 =	vld [tilespmem:$0x280];
	_ =	sdelay $0x4  }
0xf8: {  	v62 =	vshrl.u32 v3, $0x3  }
0xf9: {  	v4 =	vmul.u32 $0x30, v62  }
0xfa: {  	v3 =	vand.u32 $0x7, v3  }
0xfb: {  	v3 =	vor.u32 v3, v4  }
0xfc: {  	v4 =	vperm.xlane v3, v0;
	_ =	sdelay $0x1  }
0xfd: {  	v4 =	vadd.s32 v1, v4;
	_ =	sdelay $0x3  }
0xfe: {  	v3 =	vperm.xlane v3, v2  }
0xff: {  	[tilespmem:s14], [sflag:$0x2] =	stream.indirect_vreg.gather [hbm4b:s1+s3], $0x80, v4, vm0, $0xb8;
	[tilespmem:$0x1C000] =	vst v63  }
0x100: {  	v3 =	vadd.s32 v1, v3  }
0x101: {  	[tilespmem:s13], [sflag:$0x2] =	stream.indirect_vreg.gather [hbm4b:s6+s3], $0x80, v4, vm0, $0xb8;
	[tilespmem:$0x1C000] =	vst v63  }
0x102: {  	s15 =	simm.s32 $0xB000  }
0x103: {  	[tilespmem:s15], [sflag:$0x2] =	stream.indirect_vreg.gather [hbm4b:s7+s3], $0x80, v4, vm0, $0xb8;
	[tilespmem:$0x1C000] =	vst v63  }
0x104: {  	_ = 	snop  }
0x105: {  	[tilespmem:s29], [sflag:$0x2] =	stream.indirect_vreg.gather [hbm4b:s1+s3], $0x80, v3, vm0, $0xb8;
	[tilespmem:$0x1C000] =	vst v63  }
0x106: {  	_ = 	snop  }
0x107: {  	[tilespmem:s30], [sflag:$0x2] =	stream.indirect_vreg.gather [hbm4b:s6+s3], $0x80, v3, vm0, $0xb8;
	[tilespmem:$0x1C000] =	vst v63  }
0x108: {  	_ = 	snop  }
0x109: {  	[tilespmem:s31], [sflag:$0x2] =	stream.indirect_vreg.gather [hbm4b:s7+s3], $0x80, v3, vm0, $0xb8;
	[tilespmem:$0x1C000] =	vst v63  }
0x10a: {  	v3 =	vld [tilespmem:$0x290];
	_ =	sdelay $0x4  }
0x10b: {  	v63 =	vshrl.u32 v3, $0x3  }
0x10c: {  	v4 =	vmul.u32 $0x30, v63  }
0x10d: {  	v3 =	vand.u32 $0x7, v3  }
0x10e: {  	v3 =	vor.u32 v3, v4  }
0x10f: {  	v4 =	vperm.xlane v3, v0;
	_ =	sdelay $0x1  }
0x110: {  	v4 =	vadd.s32 v1, v4;
	_ =	sdelay $0x3  }
0x111: {  	s15 =	simm.s32 $0xD000;
	v3 =	vperm.xlane v3, v2  }
0x112: {  	[tilespmem:s15], [sflag:$0x2] =	stream.indirect_vreg.gather [hbm4b:s1+s3], $0x80, v4, vm0, $0xb8;
	[tilespmem:$0x1C000] =	vst v63  }
0x113: {  	s23 =	simm.s32 $0xE000;
	s17 =	simm.s32 $0xD800;
	v3 =	vadd.s32 v1, v3  }
0x114: {  	[tilespmem:s17], [sflag:$0x2] =	stream.indirect_vreg.gather [hbm4b:s6+s3], $0x80, v4, vm0, $0xb8;
	[tilespmem:$0x1C000] =	vst v63  }
0x115: {  	s24 =	simm.s32 $0xE800;
	s25 =	simm.s32 $0xF000;
	s26 =	simm.s32 $0xF800  }
0x116: {  	[tilespmem:s23], [sflag:$0x2] =	stream.indirect_vreg.gather [hbm4b:s7+s3], $0x80, v4, vm0, $0xb8;
	[tilespmem:$0x1C000] =	vst v63  }
0x117: {  	s0 =	simm.s32 $0xC000;
	s2 =	simm.s32 $0x6000;
	s4 =	simm.s32 $0xC800  }
0x118: {  	[tilespmem:s24], [sflag:$0x2] =	stream.indirect_vreg.gather [hbm4b:s1+s3], $0x80, v3, vm0, $0xb8;
	[tilespmem:$0x1C000] =	vst v63  }
0x119: {  	s8 =	simm.s32 $0x7000;
	s10 =	simm.s32 $0x8000;
	s12 =	simm.s32 $0x9000  }
0x11a: {  	[tilespmem:s25], [sflag:$0x2] =	stream.indirect_vreg.gather [hbm4b:s6+s3], $0x80, v3, vm0, $0xb8;
	[tilespmem:$0x1C000] =	vst v63  }
0x11b: {  	s14 =	simm.s32 $0xA800;
	s13 =	simm.s32 $0x9800;
	s30 =	simm.s32 $0x16000  }
0x11c: {  	[tilespmem:s26], [sflag:$0x2] =	stream.indirect_vreg.gather [hbm4b:s7+s3], $0x80, v3, vm0, $0xb8;
	[tilespmem:$0x1C000] =	vst v63  }
0x11d: {  	s31 =	simm.s32 $0x5000;
	s17 =	simm.s32 $0xB000;
	_ =	swait.ge [sflag:s20], $0x6000  }
0x11e: {  	s23 =	simm.s32 $0x490;
	s24 =	simm.s32 $0x0;
	[sflag:s20] =	ssyncset.done $0x0  }
0x11f: {  	s26 =	simm.s32 $0x4800;
	s29 =	rddreg [dreg:$0xc];
	[sflag:s20] =	ssyncadd.s32 $0xFFFFA000  }
0x120: {  	[hbm4b:s29+s3] =	stream.linear.scatter [tilespmem:s30], [sflag:$0x8], $0x6000, $0x38;
	[tilespmem:$0x1C000] =	vst v63  }
.LBB2_2:
0x121: {  	_ =	swait.ge [sflag:s21], $0x6000  }
0x122: {  	[sflag:s21] =	ssyncset.done $0x0  }
0x123: {  	[sflag:s21] =	ssyncadd.s32 $0xFFFFA000  }
0x124: {  	v3 =	vld [tilespmem:s23+$0xFFFFFE70];
	_ =	sdelay $0x4  }
0x125: {  	v4 =	vshrl.u32 v3, $0x3  }
0x126: {  	v4 =	vmul.u32 $0x30, v4  }
0x127: {  	v3 =	vand.u32 $0x7, v3  }
0x128: {  	v3 =	vor.u32 v3, v4  }
0x129: {  	v4 =	vperm.xlane v3, v0;
	_ =	sdelay $0x1  }
0x12a: {  	v4 =	vadd.s32 v1, v4;
	_ =	sdelay $0x3  }
0x12b: {  	s9 =	simm.s32 $0x10000;
	v3 =	vperm.xlane v3, v2  }
0x12c: {  	[tilespmem:s9], [sflag:$0x3] =	stream.indirect_vreg.gather [hbm4b:s1+s3], $0x80, v4, vm0, $0xb8;
	[tilespmem:$0x1C000] =	vst v63  }
0x12d: {  	s15 =	simm.s32 $0x10800;
	v3 =	vadd.s32 v1, v3  }
0x12e: {  	[tilespmem:s15], [sflag:$0x3] =	stream.indirect_vreg.gather [hbm4b:s6+s3], $0x80, v4, vm0, $0xb8;
	[tilespmem:$0x1C000] =	vst v63  }
0x12f: {  	s25 =	simm.s32 $0x11000  }
0x130: {  	[tilespmem:s25], [sflag:$0x3] =	stream.indirect_vreg.gather [hbm4b:s7+s3], $0x80, v4, vm0, $0xb8;
	[tilespmem:$0x1C000] =	vst v63  }
0x131: {  	s11 =	simm.s32 $0x11800  }
0x132: {  	[tilespmem:s11], [sflag:$0x3] =	stream.indirect_vreg.gather [hbm4b:s1+s3], $0x80, v3, vm0, $0xb8;
	[tilespmem:$0x1C000] =	vst v63  }
0x133: {  	s25 =	simm.s32 $0x12000  }
0x134: {  	[tilespmem:s25], [sflag:$0x3] =	stream.indirect_vreg.gather [hbm4b:s6+s3], $0x80, v3, vm0, $0xb8;
	[tilespmem:$0x1C000] =	vst v63  }
0x135: {  	s11 =	simm.s32 $0x12800  }
0x136: {  	[tilespmem:s11], [sflag:$0x3] =	stream.indirect_vreg.gather [hbm4b:s7+s3], $0x80, v3, vm0, $0xb8;
	[tilespmem:$0x1C000] =	vst v63  }
0x137: {  	v3 =	vld [tilespmem:s23+$0xFFFFFE80];
	_ =	sdelay $0x4  }
0x138: {  	v57 =	vshrl.u32 v3, $0x3  }
0x139: {  	v4 =	vmul.u32 $0x30, v57  }
0x13a: {  	v3 =	vand.u32 $0x7, v3  }
0x13b: {  	v3 =	vor.u32 v3, v4  }
0x13c: {  	v4 =	vperm.xlane v3, v0;
	_ =	sdelay $0x1  }
0x13d: {  	v4 =	vadd.s32 v1, v4;
	_ =	sdelay $0x3  }
0x13e: {  	s25 =	simm.s32 $0x13000;
	v3 =	vperm.xlane v3, v2  }
0x13f: {  	[tilespmem:s25], [sflag:$0x3] =	stream.indirect_vreg.gather [hbm4b:s1+s3], $0x80, v4, vm0, $0xb8;
	[tilespmem:$0x1C000] =	vst v63  }
0x140: {  	s11 =	simm.s32 $0x13800;
	v3 =	vadd.s32 v1, v3  }
0x141: {  	[tilespmem:s11], [sflag:$0x3] =	stream.indirect_vreg.gather [hbm4b:s6+s3], $0x80, v4, vm0, $0xb8;
	[tilespmem:$0x1C000] =	vst v63  }
0x142: {  	s25 =	simm.s32 $0x14000  }
0x143: {  	[tilespmem:s25], [sflag:$0x3] =	stream.indirect_vreg.gather [hbm4b:s7+s3], $0x80, v4, vm0, $0xb8;
	[tilespmem:$0x1C000] =	vst v63  }
0x144: {  	s11 =	simm.s32 $0x14800  }
0x145: {  	[tilespmem:s11], [sflag:$0x3] =	stream.indirect_vreg.gather [hbm4b:s1+s3], $0x80, v3, vm0, $0xb8;
	[tilespmem:$0x1C000] =	vst v63  }
0x146: {  	s11 =	simm.s32 $0x15000  }
0x147: {  	[tilespmem:s11], [sflag:$0x3] =	stream.indirect_vreg.gather [hbm4b:s6+s3], $0x80, v3, vm0, $0xb8;
	[tilespmem:$0x1C000] =	vst v63  }
0x148: {  	s15 =	simm.s32 $0x15800  }
0x149: {  	[tilespmem:s15], [sflag:$0x3] =	stream.indirect_vreg.gather [hbm4b:s7+s3], $0x80, v3, vm0, $0xb8;
	[tilespmem:$0x1C000] =	vst v63  }
0x14a: {  	_ =	swait.ge [sflag:s28], $0x6000  }
0x14b: {  	s25 =	rddreg [dreg:$0x6];
	[sflag:s28] =	ssyncset.done $0x0  }
0x14c: {  	s15 =	simm.s32 $0x4000;
	[sflag:s28] =	ssyncadd.s32 $0xFFFFA000;
	s25 =	sadd.s32 s24, s25  }
0x14d: {  	[hbm4b:s25+s3] =	stream.linear.scatter [tilespmem:s15], [sflag:$0x5], $0x6000, $0x38;
	[tilespmem:$0x1C000] =	vst v63  }
0x14e: {  	_ =	swait.ge [sflag:s22], $0x6000  }
0x14f: {  	[sflag:s22] =	ssyncset.done $0x0  }
0x150: {  	[sflag:s22] =	ssyncadd.s32 $0xFFFFA000  }
0x151: {  	v3 =	vld [tilespmem:s23+$0xFFFFFEF0];
	_ =	sdelay $0x4  }
0x152: {  	v58 =	vshrl.u32 v3, $0x3  }
0x153: {  	v4 =	vmul.u32 $0x30, v58  }
0x154: {  	v3 =	vand.u32 $0x7, v3  }
0x155: {  	v3 =	vor.u32 v3, v4  }
0x156: {  	v4 =	vperm.xlane v3, v0;
	_ =	sdelay $0x1  }
0x157: {  	v4 =	vadd.s32 v1, v4;
	_ =	sdelay $0x3  }
0x158: {  	s11 =	simm.s32 $0x16000;
	v3 =	vperm.xlane v3, v2  }
0x159: {  	[tilespmem:s11], [sflag:$0x4] =	stream.indirect_vreg.gather [hbm4b:s1+s3], $0x80, v4, vm0, $0xb8;
	[tilespmem:$0x1C000] =	vst v63  }
0x15a: {  	s25 =	simm.s32 $0x16800;
	v3 =	vadd.s32 v1, v3  }
0x15b: {  	[tilespmem:s25], [sflag:$0x4] =	stream.indirect_vreg.gather [hbm4b:s6+s3], $0x80, v4, vm0, $0xb8;
	[tilespmem:$0x1C000] =	vst v63  }
0x15c: {  	s25 =	simm.s32 $0x17000  }
0x15d: {  	[tilespmem:s25], [sflag:$0x4] =	stream.indirect_vreg.gather [hbm4b:s7+s3], $0x80, v4, vm0, $0xb8;
	[tilespmem:$0x1C000] =	vst v63  }
0x15e: {  	s25 =	simm.s32 $0x17800  }
0x15f: {  	[tilespmem:s25], [sflag:$0x4] =	stream.indirect_vreg.gather [hbm4b:s1+s3], $0x80, v3, vm0, $0xb8;
	[tilespmem:$0x1C000] =	vst v63  }
0x160: {  	s25 =	simm.s32 $0x18000  }
0x161: {  	[tilespmem:s25], [sflag:$0x4] =	stream.indirect_vreg.gather [hbm4b:s6+s3], $0x80, v3, vm0, $0xb8;
	[tilespmem:$0x1C000] =	vst v63  }
0x162: {  	s25 =	simm.s32 $0x18800  }
0x163: {  	[tilespmem:s25], [sflag:$0x4] =	stream.indirect_vreg.gather [hbm4b:s7+s3], $0x80, v3, vm0, $0xb8;
	[tilespmem:$0x1C000] =	vst v63  }
0x164: {  	v3 =	vld [tilespmem:s23+$0xFFFFFF00];
	_ =	sdelay $0x4  }
0x165: {  	v59 =	vshrl.u32 v3, $0x3  }
0x166: {  	v4 =	vmul.u32 $0x30, v59  }
0x167: {  	v3 =	vand.u32 $0x7, v3  }
0x168: {  	v3 =	vor.u32 v3, v4  }
0x169: {  	v4 =	vperm.xlane v3, v0;
	_ =	sdelay $0x1  }
0x16a: {  	v4 =	vadd.s32 v1, v4;
	_ =	sdelay $0x3  }
0x16b: {  	s25 =	simm.s32 $0x19000;
	v3 =	vperm.xlane v3, v2  }
0x16c: {  	[tilespmem:s25], [sflag:$0x4] =	stream.indirect_vreg.gather [hbm4b:s1+s3], $0x80, v4, vm0, $0xb8;
	[tilespmem:$0x1C000] =	vst v63  }
0x16d: {  	v3 =	vadd.s32 v1, v3;
	s25 =	simm.s32 $0x19800  }
0x16e: {  	[tilespmem:s25], [sflag:$0x4] =	stream.indirect_vreg.gather [hbm4b:s6+s3], $0x80, v4, vm0, $0xb8;
	[tilespmem:$0x1C000] =	vst v63  }
0x16f: {  	s25 =	simm.s32 $0x1A000  }
0x170: {  	[tilespmem:s25], [sflag:$0x4] =	stream.indirect_vreg.gather [hbm4b:s7+s3], $0x80, v4, vm0, $0xb8;
	[tilespmem:$0x1C000] =	vst v63  }
0x171: {  	s25 =	simm.s32 $0x1A800  }
0x172: {  	[tilespmem:s25], [sflag:$0x4] =	stream.indirect_vreg.gather [hbm4b:s1+s3], $0x80, v3, vm0, $0xb8;
	[tilespmem:$0x1C000] =	vst v63  }
0x173: {  	s25 =	simm.s32 $0x1B000  }
0x174: {  	[tilespmem:s25], [sflag:$0x4] =	stream.indirect_vreg.gather [hbm4b:s6+s3], $0x80, v3, vm0, $0xb8;
	[tilespmem:$0x1C000] =	vst v63  }
0x175: {  	s25 =	simm.s32 $0x1B800  }
0x176: {  	[tilespmem:s25], [sflag:$0x4] =	stream.indirect_vreg.gather [hbm4b:s7+s3], $0x80, v3, vm0, $0xb8;
	[tilespmem:$0x1C000] =	vst v63  }
0x177: {  	_ =	swait.ge [sflag:s5], $0x6000  }
0x178: {  	s25 =	rddreg [dreg:$0x7];
	[sflag:s5] =	ssyncset.done $0x0  }
0x179: {  	s29 =	simm.s32 $0xA000;
	[sflag:s5] =	ssyncadd.s32 $0xFFFFA000;
	s25 =	sadd.s32 s24, s25  }
0x17a: {  	[hbm4b:s25+s3] =	stream.linear.scatter [tilespmem:s29], [sflag:$0x6], $0x6000, $0x38;
	[tilespmem:$0x1C000] =	vst v63  }
0x17b: {  	_ =	swait.ge [sflag:s16], $0x6000  }
0x17c: {  	[sflag:s16] =	ssyncset.done $0x0  }
0x17d: {  	[sflag:s16] =	ssyncadd.s32 $0xFFFFA000  }
0x17e: {  	v3 =	vld [tilespmem:s23+$0xFFFFFF70];
	_ =	sdelay $0x4  }
0x17f: {  	v60 =	vshrl.u32 v3, $0x3  }
0x180: {  	v4 =	vmul.u32 $0x30, v60  }
0x181: {  	v3 =	vand.u32 $0x7, v3  }
0x182: {  	v3 =	vor.u32 v3, v4  }
0x183: {  	v4 =	vperm.xlane v3, v0;
	_ =	sdelay $0x1  }
0x184: {  	v4 =	vadd.s32 v1, v4;
	_ =	sdelay $0x3  }
0x185: {  	v3 =	vperm.xlane v3, v2  }
0x186: {  	[tilespmem:s15], [sflag:$0x1] =	stream.indirect_vreg.gather [hbm4b:s1+s3], $0x80, v4, vm0, $0xb8;
	[tilespmem:$0x1C000] =	vst v63  }
0x187: {  	v3 =	vadd.s32 v1, v3  }
0x188: {  	[tilespmem:s26], [sflag:$0x1] =	stream.indirect_vreg.gather [hbm4b:s6+s3], $0x80, v4, vm0, $0xb8;
	[tilespmem:$0x1C000] =	vst v63  }
0x189: {  	_ = 	snop  }
0x18a: {  	[tilespmem:s31], [sflag:$0x1] =	stream.indirect_vreg.gather [hbm4b:s7+s3], $0x80, v4, vm0, $0xb8;
	[tilespmem:$0x1C000] =	vst v63  }
0x18b: {  	s25 =	simm.s32 $0x5800  }
0x18c: {  	[tilespmem:s25], [sflag:$0x1] =	stream.indirect_vreg.gather [hbm4b:s1+s3], $0x80, v3, vm0, $0xb8;
	[tilespmem:$0x1C000] =	vst v63  }
0x18d: {  	_ = 	snop  }
0x18e: {  	[tilespmem:s2], [sflag:$0x1] =	stream.indirect_vreg.gather [hbm4b:s6+s3], $0x80, v3, vm0, $0xb8;
	[tilespmem:$0x1C000] =	vst v63  }
0x18f: {  	s25 =	simm.s32 $0x6800  }
0x190: {  	[tilespmem:s25], [sflag:$0x1] =	stream.indirect_vreg.gather [hbm4b:s7+s3], $0x80, v3, vm0, $0xb8;
	[tilespmem:$0x1C000] =	vst v63  }
0x191: {  	v3 =	vld [tilespmem:s23+$0xFFFFFF80];
	_ =	sdelay $0x4  }
0x192: {  	v61 =	vshrl.u32 v3, $0x3  }
0x193: {  	v4 =	vmul.u32 $0x30, v61  }
0x194: {  	v3 =	vand.u32 $0x7, v3  }
0x195: {  	v3 =	vor.u32 v3, v4  }
0x196: {  	v4 =	vperm.xlane v3, v0;
	_ =	sdelay $0x1  }
0x197: {  	v4 =	vadd.s32 v1, v4;
	_ =	sdelay $0x3  }
0x198: {  	v3 =	vperm.xlane v3, v2  }
0x199: {  	[tilespmem:s8], [sflag:$0x1] =	stream.indirect_vreg.gather [hbm4b:s1+s3], $0x80, v4, vm0, $0xb8;
	[tilespmem:$0x1C000] =	vst v63  }
0x19a: {  	s25 =	simm.s32 $0x7800;
	v3 =	vadd.s32 v1, v3  }
0x19b: {  	[tilespmem:s25], [sflag:$0x1] =	stream.indirect_vreg.gather [hbm4b:s6+s3], $0x80, v4, vm0, $0xb8;
	[tilespmem:$0x1C000] =	vst v63  }
0x19c: {  	_ = 	snop  }
0x19d: {  	[tilespmem:s10], [sflag:$0x1] =	stream.indirect_vreg.gather [hbm4b:s7+s3], $0x80, v4, vm0, $0xb8;
	[tilespmem:$0x1C000] =	vst v63  }
0x19e: {  	s25 =	simm.s32 $0x8800  }
0x19f: {  	[tilespmem:s25], [sflag:$0x1] =	stream.indirect_vreg.gather [hbm4b:s1+s3], $0x80, v3, vm0, $0xb8;
	[tilespmem:$0x1C000] =	vst v63  }
0x1a0: {  	_ = 	snop  }
0x1a1: {  	[tilespmem:s12], [sflag:$0x1] =	stream.indirect_vreg.gather [hbm4b:s6+s3], $0x80, v3, vm0, $0xb8;
	[tilespmem:$0x1C000] =	vst v63  }
0x1a2: {  	_ = 	snop  }
0x1a3: {  	[tilespmem:s13], [sflag:$0x1] =	stream.indirect_vreg.gather [hbm4b:s7+s3], $0x80, v3, vm0, $0xb8;
	[tilespmem:$0x1C000] =	vst v63  }
0x1a4: {  	_ =	swait.ge [sflag:s18], $0x6000  }
0x1a5: {  	s15 =	rddreg [dreg:$0x5];
	[sflag:s18] =	ssyncset.done $0x0  }
0x1a6: {  	[sflag:s18] =	ssyncadd.s32 $0xFFFFA000;
	s25 =	sadd.s32 s24, s15  }
0x1a7: {  	[hbm4b:s25+s3] =	stream.linear.scatter [tilespmem:s9], [sflag:$0x7], $0x6000, $0x38;
	[tilespmem:$0x1C000] =	vst v63  }
0x1a8: {  	_ =	swait.ge [sflag:s19], $0x6000  }
0x1a9: {  	[sflag:s19] =	ssyncset.done $0x0  }
0x1aa: {  	[sflag:s19] =	ssyncadd.s32 $0xFFFFA000  }
0x1ab: {  	v3 =	vld [tilespmem:s23+$0xFFFFFFF0];
	_ =	sdelay $0x4  }
0x1ac: {  	v62 =	vshrl.u32 v3, $0x3  }
0x1ad: {  	v4 =	vmul.u32 $0x30, v62  }
0x1ae: {  	v3 =	vand.u32 $0x7, v3  }
0x1af: {  	v3 =	vor.u32 v3, v4  }
0x1b0: {  	v4 =	vperm.xlane v3, v0;
	_ =	sdelay $0x1  }
0x1b1: {  	v4 =	vadd.s32 v1, v4;
	_ =	sdelay $0x3  }
0x1b2: {  	v3 =	vperm.xlane v3, v2  }
0x1b3: {  	[tilespmem:s29], [sflag:$0x2] =	stream.indirect_vreg.gather [hbm4b:s1+s3], $0x80, v4, vm0, $0xb8;
	[tilespmem:$0x1C000] =	vst v63  }
0x1b4: {  	v3 =	vadd.s32 v1, v3  }
0x1b5: {  	[tilespmem:s14], [sflag:$0x2] =	stream.indirect_vreg.gather [hbm4b:s6+s3], $0x80, v4, vm0, $0xb8;
	[tilespmem:$0x1C000] =	vst v63  }
0x1b6: {  	_ = 	snop  }
0x1b7: {  	[tilespmem:s17], [sflag:$0x2] =	stream.indirect_vreg.gather [hbm4b:s7+s3], $0x80, v4, vm0, $0xb8;
	[tilespmem:$0x1C000] =	vst v63  }
0x1b8: {  	s29 =	simm.s32 $0xB800  }
0x1b9: {  	[tilespmem:s29], [sflag:$0x2] =	stream.indirect_vreg.gather [hbm4b:s1+s3], $0x80, v3, vm0, $0xb8;
	[tilespmem:$0x1C000] =	vst v63  }
0x1ba: {  	_ = 	snop  }
0x1bb: {  	[tilespmem:s0], [sflag:$0x2] =	stream.indirect_vreg.gather [hbm4b:s6+s3], $0x80, v3, vm0, $0xb8;
	[tilespmem:$0x1C000] =	vst v63  }
0x1bc: {  	_ = 	snop  }
0x1bd: {  	[tilespmem:s4], [sflag:$0x2] =	stream.indirect_vreg.gather [hbm4b:s7+s3], $0x80, v3, vm0, $0xb8;
	[tilespmem:$0x1C000] =	vst v63  }
0x1be: {  	v3 =	vld [tilespmem:s23+$0x0];
	_ =	sdelay $0x4  }
0x1bf: {  	v63 =	vshrl.u32 v3, $0x3  }
0x1c0: {  	v4 =	vmul.u32 $0x30, v63  }
0x1c1: {  	v3 =	vand.u32 $0x7, v3  }
0x1c2: {  	v3 =	vor.u32 v3, v4  }
0x1c3: {  	v4 =	vperm.xlane v3, v0;
	_ =	sdelay $0x1  }
0x1c4: {  	v4 =	vadd.s32 v1, v4;
	_ =	sdelay $0x3  }
0x1c5: {  	s25 =	simm.s32 $0xD000;
	v3 =	vperm.xlane v3, v2  }
0x1c6: {  	[tilespmem:s25], [sflag:$0x2] =	stream.indirect_vreg.gather [hbm4b:s1+s3], $0x80, v4, vm0, $0xb8;
	[tilespmem:$0x1C000] =	vst v63  }
0x1c7: {  	v3 =	vadd.s32 v1, v3;
	s25 =	simm.s32 $0xD800  }
0x1c8: {  	[tilespmem:s25], [sflag:$0x2] =	stream.indirect_vreg.gather [hbm4b:s6+s3], $0x80, v4, vm0, $0xb8;
	[tilespmem:$0x1C000] =	vst v63  }
0x1c9: {  	s25 =	simm.s32 $0xE000  }
0x1ca: {  	[tilespmem:s25], [sflag:$0x2] =	stream.indirect_vreg.gather [hbm4b:s7+s3], $0x80, v4, vm0, $0xb8;
	[tilespmem:$0x1C000] =	vst v63  }
0x1cb: {  	s25 =	simm.s32 $0xE800  }
0x1cc: {  	[tilespmem:s25], [sflag:$0x2] =	stream.indirect_vreg.gather [hbm4b:s1+s3], $0x80, v3, vm0, $0xb8;
	[tilespmem:$0x1C000] =	vst v63  }
0x1cd: {  	s25 =	simm.s32 $0xF000  }
0x1ce: {  	[tilespmem:s25], [sflag:$0x2] =	stream.indirect_vreg.gather [hbm4b:s6+s3], $0x80, v3, vm0, $0xb8;
	[tilespmem:$0x1C000] =	vst v63  }
0x1cf: {  	p0 =	sne.s32 s24, $0x57000;
	s25 =	simm.s32 $0xF800  }
0x1d0: {  	[tilespmem:s25], [sflag:$0x2] =	stream.indirect_vreg.gather [hbm4b:s7+s3], $0x80, v3, vm0, $0xb8;
	[tilespmem:$0x1C000] =	vst v63  }
.Ltmp0:
0x1d1: {  	_ = 	snop;
	(pc) =	sbr.rel @p0 .LBB2_2-.Ltmp0, $4  }
0x1d2: {  	s30 =	simm.s32 $0x4000;
	s15 =	simm.s32 $0xA000;
	_ =	swait.ge [sflag:s20], $0x6000  }
0x1d3: {  	s23 =	sadd.s32 $0x200, s23;
	s9 =	rddreg [dreg:$0x4];
	[sflag:s20] =	ssyncset.done $0x0  }
0x1d4: {  	[sflag:s20] =	ssyncadd.s32 $0xFFFFA000;
	s25 =	sadd.s32 s24, s9;
	s24 =	sadd.s32 $0x3000, s24  }
0x1d5: {  	[hbm4b:s25+s3] =	stream.linear.scatter [tilespmem:s11], [sflag:$0x8], $0x6000, $0x38;
	[tilespmem:$0x1C000] =	vst v63  }
0x1d6: {  	_ =	swait.ge [sflag:s21], $0x6000  }
0x1d7: {  	[sflag:s21] =	ssyncset.done $0x0  }
0x1d8: {  	[sflag:s21] =	ssyncadd.s32 $0xFFFFA000  }
0x1d9: {  	v3 =	vld [tilespmem:$0x3F00];
	_ =	sdelay $0x4  }
0x1da: {  	v4 =	vshrl.u32 v3, $0x3  }
0x1db: {  	v4 =	vmul.u32 $0x30, v4  }
0x1dc: {  	v3 =	vand.u32 $0x7, v3  }
0x1dd: {  	v3 =	vor.u32 v3, v4  }
0x1de: {  	v4 =	vperm.xlane v3, v0;
	_ =	sdelay $0x1  }
0x1df: {  	v4 =	vadd.s32 v1, v4;
	_ =	sdelay $0x3  }
0x1e0: {  	s0 =	simm.s32 $0x10000;
	v3 =	vperm.xlane v3, v2  }
0x1e1: {  	[tilespmem:s0], [sflag:$0x3] =	stream.indirect_vreg.gather [hbm4b:s1+s3], $0x80, v4, vm0, $0xb8;
	[tilespmem:$0x1C000] =	vst v63  }
0x1e2: {  	s2 =	simm.s32 $0x10800;
	v3 =	vadd.s32 v1, v3  }
0x1e3: {  	[tilespmem:s2], [sflag:$0x3] =	stream.indirect_vreg.gather [hbm4b:s6+s3], $0x80, v4, vm0, $0xb8;
	[tilespmem:$0x1C000] =	vst v63  }
0x1e4: {  	s4 =	simm.s32 $0x11000  }
0x1e5: {  	[tilespmem:s4], [sflag:$0x3] =	stream.indirect_vreg.gather [hbm4b:s7+s3], $0x80, v4, vm0, $0xb8;
	[tilespmem:$0x1C000] =	vst v63  }
0x1e6: {  	s8 =	simm.s32 $0x11800  }
0x1e7: {  	[tilespmem:s8], [sflag:$0x3] =	stream.indirect_vreg.gather [hbm4b:s1+s3], $0x80, v3, vm0, $0xb8;
	[tilespmem:$0x1C000] =	vst v63  }
0x1e8: {  	s9 =	simm.s32 $0x12000  }
0x1e9: {  	[tilespmem:s9], [sflag:$0x3] =	stream.indirect_vreg.gather [hbm4b:s6+s3], $0x80, v3, vm0, $0xb8;
	[tilespmem:$0x1C000] =	vst v63  }
0x1ea: {  	s10 =	simm.s32 $0x12800  }
0x1eb: {  	[tilespmem:s10], [sflag:$0x3] =	stream.indirect_vreg.gather [hbm4b:s7+s3], $0x80, v3, vm0, $0xb8;
	[tilespmem:$0x1C000] =	vst v63  }
0x1ec: {  	v3 =	vld [tilespmem:$0x3F10];
	_ =	sdelay $0x4  }
0x1ed: {  	v61 =	vshrl.u32 v3, $0x3  }
0x1ee: {  	v4 =	vmul.u32 $0x30, v61  }
0x1ef: {  	v3 =	vand.u32 $0x7, v3  }
0x1f0: {  	v3 =	vor.u32 v3, v4  }
0x1f1: {  	v4 =	vperm.xlane v3, v0;
	_ =	sdelay $0x1  }
0x1f2: {  	v4 =	vadd.s32 v1, v4;
	_ =	sdelay $0x3  }
0x1f3: {  	s11 =	simm.s32 $0x13000;
	v3 =	vperm.xlane v3, v2  }
0x1f4: {  	[tilespmem:s11], [sflag:$0x3] =	stream.indirect_vreg.gather [hbm4b:s1+s3], $0x80, v4, vm0, $0xb8;
	[tilespmem:$0x1C000] =	vst v63  }
0x1f5: {  	s12 =	simm.s32 $0x13800;
	v3 =	vadd.s32 v1, v3  }
0x1f6: {  	[tilespmem:s12], [sflag:$0x3] =	stream.indirect_vreg.gather [hbm4b:s6+s3], $0x80, v4, vm0, $0xb8;
	[tilespmem:$0x1C000] =	vst v63  }
0x1f7: {  	s13 =	simm.s32 $0x14000  }
0x1f8: {  	[tilespmem:s13], [sflag:$0x3] =	stream.indirect_vreg.gather [hbm4b:s7+s3], $0x80, v4, vm0, $0xb8;
	[tilespmem:$0x1C000] =	vst v63  }
0x1f9: {  	s14 =	simm.s32 $0x14800  }
0x1fa: {  	[tilespmem:s14], [sflag:$0x3] =	stream.indirect_vreg.gather [hbm4b:s1+s3], $0x80, v3, vm0, $0xb8;
	[tilespmem:$0x1C000] =	vst v63  }
0x1fb: {  	s17 =	simm.s32 $0x15000  }
0x1fc: {  	[tilespmem:s17], [sflag:$0x3] =	stream.indirect_vreg.gather [hbm4b:s6+s3], $0x80, v3, vm0, $0xb8;
	[tilespmem:$0x1C000] =	vst v63  }
0x1fd: {  	s23 =	simm.s32 $0x15800  }
0x1fe: {  	[tilespmem:s23], [sflag:$0x3] =	stream.indirect_vreg.gather [hbm4b:s7+s3], $0x80, v3, vm0, $0xb8;
	[tilespmem:$0x1C000] =	vst v63  }
0x1ff: {  	_ =	swait.ge [sflag:s28], $0x6000  }
0x200: {  	[sflag:s28] =	ssyncset.done $0x0  }
0x201: {  	s23 =	rddreg [dreg:$0xd];
	[sflag:s28] =	ssyncadd.s32 $0xFFFFA000  }
0x202: {  	[hbm4b:s23+s3] =	stream.linear.scatter [tilespmem:s30], [sflag:$0x5], $0x6000, $0x38;
	[tilespmem:$0x1C000] =	vst v63  }
0x203: {  	_ =	swait.ge [sflag:s22], $0x6000  }
0x204: {  	[sflag:s22] =	ssyncset.done $0x0  }
0x205: {  	[sflag:s22] =	ssyncadd.s32 $0xFFFFA000  }
0x206: {  	v3 =	vld [tilespmem:$0x3F80];
	_ =	sdelay $0x4  }
0x207: {  	v62 =	vshrl.u32 v3, $0x3  }
0x208: {  	v4 =	vmul.u32 $0x30, v62  }
0x209: {  	v3 =	vand.u32 $0x7, v3  }
0x20a: {  	v3 =	vor.u32 v3, v4  }
0x20b: {  	v4 =	vperm.xlane v3, v0;
	_ =	sdelay $0x1  }
0x20c: {  	v4 =	vadd.s32 v1, v4;
	_ =	sdelay $0x3  }
0x20d: {  	s2 =	simm.s32 $0x16000;
	v3 =	vperm.xlane v3, v2  }
0x20e: {  	[tilespmem:s2], [sflag:$0x4] =	stream.indirect_vreg.gather [hbm4b:s1+s3], $0x80, v4, vm0, $0xb8;
	[tilespmem:$0x1C000] =	vst v63  }
0x20f: {  	s4 =	simm.s32 $0x16800;
	v3 =	vadd.s32 v1, v3  }
0x210: {  	[tilespmem:s4], [sflag:$0x4] =	stream.indirect_vreg.gather [hbm4b:s6+s3], $0x80, v4, vm0, $0xb8;
	[tilespmem:$0x1C000] =	vst v63  }
0x211: {  	s24 =	simm.s32 $0x17000  }
0x212: {  	[tilespmem:s24], [sflag:$0x4] =	stream.indirect_vreg.gather [hbm4b:s7+s3], $0x80, v4, vm0, $0xb8;
	[tilespmem:$0x1C000] =	vst v63  }
0x213: {  	s25 =	simm.s32 $0x17800  }
0x214: {  	[tilespmem:s25], [sflag:$0x4] =	stream.indirect_vreg.gather [hbm4b:s1+s3], $0x80, v3, vm0, $0xb8;
	[tilespmem:$0x1C000] =	vst v63  }
0x215: {  	s26 =	simm.s32 $0x18000  }
0x216: {  	[tilespmem:s26], [sflag:$0x4] =	stream.indirect_vreg.gather [hbm4b:s6+s3], $0x80, v3, vm0, $0xb8;
	[tilespmem:$0x1C000] =	vst v63  }
0x217: {  	s8 =	simm.s32 $0x18800  }
0x218: {  	[tilespmem:s8], [sflag:$0x4] =	stream.indirect_vreg.gather [hbm4b:s7+s3], $0x80, v3, vm0, $0xb8;
	[tilespmem:$0x1C000] =	vst v63  }
0x219: {  	v3 =	vld [tilespmem:$0x3F90];
	_ =	sdelay $0x4  }
0x21a: {  	v63 =	vshrl.u32 v3, $0x3  }
0x21b: {  	v4 =	vmul.u32 $0x30, v63  }
0x21c: {  	v3 =	vand.u32 $0x7, v3  }
0x21d: {  	v3 =	vor.u32 v3, v4  }
0x21e: {  	v4 =	vperm.xlane v3, v0;
	_ =	sdelay $0x1  }
0x21f: {  	v4 =	vadd.s32 v1, v4;
	_ =	sdelay $0x3  }
0x220: {  	s9 =	simm.s32 $0x19000;
	v3 =	vperm.xlane v3, v2  }
0x221: {  	[tilespmem:s9], [sflag:$0x4] =	stream.indirect_vreg.gather [hbm4b:s1+s3], $0x80, v4, vm0, $0xb8;
	[tilespmem:$0x1C000] =	vst v63  }
0x222: {  	s10 =	simm.s32 $0x19800;
	v3 =	vadd.s32 v1, v3  }
0x223: {  	[tilespmem:s10], [sflag:$0x4] =	stream.indirect_vreg.gather [hbm4b:s6+s3], $0x80, v4, vm0, $0xb8;
	[tilespmem:$0x1C000] =	vst v63  }
0x224: {  	s11 =	simm.s32 $0x1A000  }
0x225: {  	[tilespmem:s11], [sflag:$0x4] =	stream.indirect_vreg.gather [hbm4b:s7+s3], $0x80, v4, vm0, $0xb8;
	[tilespmem:$0x1C000] =	vst v63  }
0x226: {  	s12 =	simm.s32 $0x1A800  }
0x227: {  	[tilespmem:s12], [sflag:$0x4] =	stream.indirect_vreg.gather [hbm4b:s1+s3], $0x80, v3, vm0, $0xb8;
	[tilespmem:$0x1C000] =	vst v63  }
0x228: {  	s13 =	simm.s32 $0x1B000  }
0x229: {  	[tilespmem:s13], [sflag:$0x4] =	stream.indirect_vreg.gather [hbm4b:s6+s3], $0x80, v3, vm0, $0xb8;
	[tilespmem:$0x1C000] =	vst v63  }
0x22a: {  	s14 =	simm.s32 $0x1B800  }
0x22b: {  	[tilespmem:s14], [sflag:$0x4] =	stream.indirect_vreg.gather [hbm4b:s7+s3], $0x80, v3, vm0, $0xb8;
	[tilespmem:$0x1C000] =	vst v63  }
0x22c: {  	_ =	swait.ge [sflag:s5], $0x6000  }
0x22d: {  	[sflag:s5] =	ssyncset.done $0x0  }
0x22e: {  	s17 =	rddreg [dreg:$0xe];
	[sflag:s5] =	ssyncadd.s32 $0xFFFFA000  }
0x22f: {  	[hbm4b:s17+s3] =	stream.linear.scatter [tilespmem:s15], [sflag:$0x6], $0x6000, $0x38;
	[tilespmem:$0x1C000] =	vst v63  }
0x230: {  	_ =	swait.ge [sflag:s18], $0x6000  }
0x231: {  	[sflag:s18] =	ssyncset.done $0x0  }
0x232: {  	s24 =	rddreg [dreg:$0xf];
	[sflag:s18] =	ssyncadd.s32 $0xFFFFA000  }
0x233: {  	[hbm4b:s24+s3] =	stream.linear.scatter [tilespmem:s0], [sflag:$0x7], $0x6000, $0x38;
	[tilespmem:$0x1C000] =	vst v63  }
0x234: {  	_ =	swait.ge [sflag:s20], $0x6000  }
0x235: {  	[sflag:s20] =	ssyncset.done $0x0  }
0x236: {  	s25 =	rddreg [dreg:$0x10];
	[sflag:s20] =	ssyncadd.s32 $0xFFFFA000  }
0x237: {  	[hbm4b:s25+s3] =	stream.linear.scatter [tilespmem:s2], [sflag:$0x8], $0x6000, $0x38;
	[tilespmem:$0x1C000] =	vst v63  }
0x238: {  	_ =	swait.ge [sflag:s16], $0x6000  }
0x239: {  	[sflag:s16] =	ssyncset.done $0x0  }
0x23a: {  	[sflag:s16] =	ssyncadd.s32 $0xFFFFA000  }
0x23b: {  	_ =	swait.ge [sflag:s19], $0x6000  }
0x23c: {  	[sflag:s19] =	ssyncset.done $0x0  }
0x23d: {  	[sflag:s19] =	ssyncadd.s32 $0xFFFFA000  }
0x23e: {  	_ =	swait.ge [sflag:s21], $0x6000  }
0x23f: {  	[sflag:s21] =	ssyncset.done $0x0  }
0x240: {  	[sflag:s21] =	ssyncadd.s32 $0xFFFFA000  }
0x241: {  	_ =	swait.ge [sflag:s22], $0x6000  }
0x242: {  	s31 =	simm.s32 $0xC800;
	s17 =	rddreg [dreg:$0x12]  }
0x243: {  	s30 =	simm.s32 $0xC000;
	s26 =	rddreg [dreg:$0x11];
	s17 =	sadd.s32 $0x1, s17  }
0x244: {  	s4 =	simm.s32 $0x7000;
	s8 =	simm.s32 $0x7800;
	p0 =	sne.s32 s17, s26  }
.Ltmp1:
0x245: {  	s9 =	simm.s32 $0x8000;
	s10 =	simm.s32 $0x8800;
	(pc) =	sbr.rel @p0 .LBB2_1-.Ltmp1, $4  }
0x246: {  	s11 =	simm.s32 $0x9000;
	s12 =	simm.s32 $0x9800;
	s13 =	simm.s32 $0xA800  }
0x247: {  	s14 =	simm.s32 $0xB000;
	s15 =	simm.s32 $0xE800;
	s24 =	simm.s32 $0x4800  }
0x248: {  	s0 =	simm.s32 $0x6000;
	s25 =	simm.s32 $0x5000;
	[sflag:s22] =	ssyncset.done $0x0  }
0x249: {  	s2 =	simm.s32 $0x6800;
	[sflag:s22] =	ssyncadd.s32 $0xFFFFA000;
	s26 =	simm.s32 $0x5800  }
0x24a: {  	_ =	sfence.sel $0x180000  }
0x24b: {  	[bflag:$0x0] =	sbarrier.arrive $0xFFFF  }
0x24c: {  	_ =	strace $0x90000047  }
0x24d: {  	s0 =	stileid.u32;
	[bflag:$0x2] =	sbarrier.arrive $0xFFFF  }
0x24e: {  	p0 =	sne.s32 s0, $0x0;
	s0 =	rddreg [dreg:$0x3]  }
0x24f: {  	s0 =	sadd.s32 @!p0 $0x100000, s0  }
0x250: {  	[sflag:s0] =	ssyncadd.tile.s32 @!p0 $0x1;
	_ =	shalt  }
.Lfunc_end2:
_tile_overlayer_lowered:
.L_overlay_start_2:
0x251: {  	(tag) =	ssettag $0x2  }
0x252: {  	s0 =	rddreg [dreg:$0x0];
	s2 =	stileid.u32  }
0x253: {  	s1 =	rddreg [dreg:$0x1];
	p0 =	sne.s32 s2, $0x0  }
0x254: {  	s3 =	rddreg [dreg:$0x2];
	[bflag:$0x3] =	sbarrier.arrive $0xFFFF;
	s2 =	simm.s32 @!p0 $0x1C09  }
0x255: {  	[timem:s3], [sflag:s2] =	dma.local @!p0 [hbm:s0], s1  }
0x256: {  	s0 =	simm.s32 @!p0 $0x9  }
0x257: {  	_ =	swait.ge @!p0 [sflag:s0], s1  }
0x258: {  	s1 =	ssub.s32 @!p0 $0x0, s1;
	[sflag:s0] =	ssyncset.done @!p0 $0x0  }
0x259: {  	[sflag:s0] =	ssyncadd.s32 @!p0 s1  }
0x25a: {  	[bflag:$0x3] =	sbarrier.arrive $0xFFFF  }
0x25b: {  	_ =	shalt  }

</sc_bundles>
